<compile_context>
chip_gen: v7x
topology: tpu7x:2x2x1
jax: 0.10.2.dev20260603
libtpu: 0.0.44.dev20260713+nightly
codegen_flags: <defaults>
</compile_context>

<pallas_src>
import jax
import jax.numpy as jnp
from jax import lax
from jax.experimental import pallas as pl
from jax.experimental.pallas import tpu as pltpu
from jax.experimental.pallas import tpu_sc as plsc

D = 128
B = 16384
NC = 2
NS = 16
L = 16
NW = NC * NS
BPW = B // NW
CB = 128
NCHUNK = BPW // CB


def _body(idx0_hbm, idx1_hbm, w_hbm, out_hbm,
          i0a, i1a, i0b, i1b, r0a, r1a, r0b, r1b, out_v,
          s0a, s1a, s0b, s1b):
    wid = lax.axis_index("s") * NC + lax.axis_index("c")
    base = wid * BPW
    bufs = ((i0a, i1a, r0a, r1a, s0a, s1a),
            (i0b, i1b, r0b, r1b, s0b, s1b))

    def issue(c, slot):
        i0, i1, r0, r1, s0, s1 = bufs[slot]
        cbase = base + c * CB
        pltpu.sync_copy(idx0_hbm.at[pl.ds(cbase, CB)], i0)
        pltpu.sync_copy(idx1_hbm.at[pl.ds(cbase, CB)], i1)
        pltpu.async_copy(w_hbm.at[i0], r0, s0)
        pltpu.async_copy(w_hbm.at[i1], r1, s1)

    def wait(slot):
        i0, i1, r0, r1, s0, s1 = bufs[slot]
        pltpu.make_async_copy(w_hbm.at[i0], r0, s0).wait()
        pltpu.make_async_copy(w_hbm.at[i1], r1, s1).wait()

    lanes = lax.iota(jnp.int32, L)
    last_lane = lanes == (L - 1)

    issue(0, 0)
    for c in range(NCHUNK):
        slot = c % 2
        if c + 1 < NCHUNK:
            issue(c + 1, 1 - slot)
        wait(slot)
        _, _, r0, r1, _, _ = bufs[slot]

        @plsc.parallel_loop(0, CB, 1, unroll=2)
        def _(e, r0=r0, r1=r1, c=c):
            acc0 = jnp.zeros((L,), jnp.float32)
            acc1 = jnp.zeros((L,), jnp.float32)
            for s in range(D // (2 * L)):
                x0 = r0[e, pl.ds(s * 2 * L, 2 * L)]
                x1 = r1[e, pl.ds(s * 2 * L, 2 * L)]
                p = x0 * x1
                a, b = plsc.unpack(p, format=plsc.PackFormat.INTERLEAVED)
                acc0 = acc0 + a
                acc1 = acc1 + b
            scn = plsc.cumsum(acc0 + acc1)
            pos = jnp.full((L,), c * CB + e, jnp.int32)
            plsc.store_scatter(out_v, [pos], scn, mask=last_lane)

    pltpu.sync_copy(out_v, out_hbm.at[pl.ds(base, BPW)])


def kernel(X_idxs, W):
    idx0 = X_idxs[:, 0].astype(jnp.int32)
    idx1 = X_idxs[:, 1].astype(jnp.int32)
    w_bf = W.astype(jnp.bfloat16)
    mesh = plsc.VectorSubcoreMesh(core_axis_name="c", subcore_axis_name="s")
    f = pl.kernel(
        _body,
        out_type=jax.ShapeDtypeStruct((B,), jnp.float32),
        mesh=mesh,
        compiler_params=pltpu.CompilerParams(
            needs_layout_passes=False, use_tc_tiling_on_sc=False,
            disable_bounds_checks=True),
        scratch_types=[
            pltpu.VMEM((CB,), jnp.int32),
            pltpu.VMEM((CB,), jnp.int32),
            pltpu.VMEM((CB,), jnp.int32),
            pltpu.VMEM((CB,), jnp.int32),
            pltpu.VMEM((CB, D), jnp.bfloat16),
            pltpu.VMEM((CB, D), jnp.bfloat16),
            pltpu.VMEM((CB, D), jnp.bfloat16),
            pltpu.VMEM((CB, D), jnp.bfloat16),
            pltpu.VMEM((BPW,), jnp.float32),
            pltpu.SemaphoreType.DMA,
            pltpu.SemaphoreType.DMA,
            pltpu.SemaphoreType.DMA,
            pltpu.SemaphoreType.DMA,
        ],
    )
    return f(idx0, idx1, w_bf)

# --- scband reference (transcript-rebuilt; emitter-appended) ---
"""Pipeline reference for scband-generic-vector-space-3092376453895 (READ-ONLY COPY).

The authoritative reference and input builder live on the scoring server;
editing this copy changes nothing except your own understanding.
"""

import jax, jax.numpy as jnp
import numpy as np

VOCAB = 1000
VEC_SIZE = 128
BATCH = 16384

def setup_inputs(seed: int = 0) -> dict:
    key = jax.random.key(seed)
    k1, k2 = jax.random.split(key)
    X_idxs = jax.random.randint(k1, (BATCH, 2), 0, VOCAB)
    # Embedding table initialized like np.random.normal(0, 0.01, (vocab, vec_size))
    W = jax.random.normal(k2, (VOCAB, VEC_SIZE), dtype=jnp.float32) * 0.01
    return {"X_idxs": X_idxs, "W": W}

def reference(X_idxs, W):
    # X_vecs = self.vecs(X_idxs): embedding gather -> [B, 2, vec_size]
    X_vecs = jnp.take(W, X_idxs, axis=0)
    # prod = torch.prod(X_vecs, dim=1) -> [B, vec_size]
    prod = jnp.prod(X_vecs, axis=1)
    # torch.sum(prod, dim=1) -> [B]
    return jnp.sum(prod, axis=1)

if __name__ == "__main__":
    import jax
    _d = setup_inputs()
    print(jax.jit(kernel)(*tuple(_d.values())))

</pallas_src>

<mosaic_0001>
#map = affine_map<(d0, d1) -> (0)>
#map1 = affine_map<(d0, d1) -> (0, 0)>
module attributes {stable_mosaic.version = 14 : i64} {
  func.func @_body(%arg0: i32, %arg1: i32, %arg2: memref<16384xi32, #tpu.memory_space<hbm>>, %arg3: memref<16384xi32, #tpu.memory_space<hbm>>, %arg4: memref<1000x128xbf16, #tpu.memory_space<hbm>>, %arg5: memref<16384xf32, #tpu.memory_space<hbm>>, %arg6: memref<128xi32, #tpu.memory_space<vmem>>, %arg7: memref<128xi32, #tpu.memory_space<vmem>>, %arg8: memref<128xi32, #tpu.memory_space<vmem>>, %arg9: memref<128xi32, #tpu.memory_space<vmem>>, %arg10: memref<128x128xbf16, #tpu.memory_space<vmem>>, %arg11: memref<128x128xbf16, #tpu.memory_space<vmem>>, %arg12: memref<128x128xbf16, #tpu.memory_space<vmem>>, %arg13: memref<128x128xbf16, #tpu.memory_space<vmem>>, %arg14: memref<512xf32, #tpu.memory_space<vmem>>, %arg15: memref<!tpu.dma_semaphore, #tpu.memory_space<semaphore_mem>>, %arg16: memref<!tpu.dma_semaphore, #tpu.memory_space<semaphore_mem>>, %arg17: memref<!tpu.dma_semaphore, #tpu.memory_space<semaphore_mem>>, %arg18: memref<!tpu.dma_semaphore, #tpu.memory_space<semaphore_mem>>) attributes {dimension_semantics = [#tpu.dimension_semantics<core_parallel>, #tpu.dimension_semantics<subcore_parallel>], iteration_bounds = array<i64: 2, 16>, scalar_prefetch = 0 : i64, scratch_operands = 13 : i64, tpu.core_type = #tpu.core_type<sc_vector_subcore>, window_params = [{transform_indices = #map}, {transform_indices = #map}, {transform_indices = #map1}, {transform_indices = #map}]} {
    %mul3A = arith.constant 2 : i32
    %mul3A_0 = arith.muli %arg1, %mul3A : i32
    %add3A = arith.addi %mul3A_0, %arg0 : i32
    %mul3A_1 = arith.constant 512 : i32
    %mul3A_2 = arith.muli %add3A, %mul3A_1 : i32
    %iota3A = tpu.iota {dimensions = array<i32: 0>} : vector<16xi32>
    %eq3A = arith.constant 15 : i32
    %eq3A_3 = vector.broadcast %eq3A : i32 to vector<16xi32>
    %eq3A_4 = arith.cmpi eq, %iota3A, %eq3A_3 : vector<16xi32>
    %add3A_5 = arith.constant 0 : i32
    %add3A_6 = arith.addi %mul3A_2, %add3A_5 : i32
    "tpu.region"() ({
      %run_scoped3A = tpu.sem_alloc : memref<!tpu.dma_semaphore, #tpu.memory_space<semaphore_mem>>
      %dma_start3A_70 = tpu.memref_slice %arg2[%add3A_6] : memref<16384xi32, #tpu.memory_space<hbm>> -> memref<128xi32, #tpu.memory_space<hbm>>
      %dma_start3A_71 = tpu.memref_slice %arg2[%add3A_6] : memref<16384xi32, #tpu.memory_space<hbm>> -> memref<128xi32, #tpu.memory_space<hbm>>
      tpu.enqueue_dma source(%dma_start3A_71 : memref<128xi32, #tpu.memory_space<hbm>>) target(%arg6 : memref<128xi32, #tpu.memory_space<vmem>>) target_semaphore(%run_scoped3A : memref<!tpu.dma_semaphore, #tpu.memory_space<semaphore_mem>>)
      %dma_wait3A_72 = tpu.memref_slice %arg2[%add3A_6] : memref<16384xi32, #tpu.memory_space<hbm>> -> memref<128xi32, #tpu.memory_space<hbm>>
      %dma_wait3A_73 = tpu.memref_slice %arg2[%add3A_6] : memref<16384xi32, #tpu.memory_space<hbm>> -> memref<128xi32, #tpu.memory_space<hbm>>
      tpu.wait_dma2 semaphore(%run_scoped3A : memref<!tpu.dma_semaphore, #tpu.memory_space<semaphore_mem>>) src(%dma_wait3A_73 : memref<128xi32, #tpu.memory_space<hbm>>) dst(%arg6 : memref<128xi32, #tpu.memory_space<vmem>>)
      tpu.yield
    }) : () -> ()
    "tpu.region"() ({
      %run_scoped3A = tpu.sem_alloc : memref<!tpu.dma_semaphore, #tpu.memory_space<semaphore_mem>>
      %dma_start3A_70 = tpu.memref_slice %arg3[%add3A_6] : memref<16384xi32, #tpu.memory_space<hbm>> -> memref<128xi32, #tpu.memory_space<hbm>>
      %dma_start3A_71 = tpu.memref_slice %arg3[%add3A_6] : memref<16384xi32, #tpu.memory_space<hbm>> -> memref<128xi32, #tpu.memory_space<hbm>>
      tpu.enqueue_dma source(%dma_start3A_71 : memref<128xi32, #tpu.memory_space<hbm>>) target(%arg7 : memref<128xi32, #tpu.memory_space<vmem>>) target_semaphore(%run_scoped3A : memref<!tpu.dma_semaphore, #tpu.memory_space<semaphore_mem>>)
      %dma_wait3A_72 = tpu.memref_slice %arg3[%add3A_6] : memref<16384xi32, #tpu.memory_space<hbm>> -> memref<128xi32, #tpu.memory_space<hbm>>
      %dma_wait3A_73 = tpu.memref_slice %arg3[%add3A_6] : memref<16384xi32, #tpu.memory_space<hbm>> -> memref<128xi32, #tpu.memory_space<hbm>>
      tpu.wait_dma2 semaphore(%run_scoped3A : memref<!tpu.dma_semaphore, #tpu.memory_space<semaphore_mem>>) src(%dma_wait3A_73 : memref<128xi32, #tpu.memory_space<hbm>>) dst(%arg7 : memref<128xi32, #tpu.memory_space<vmem>>)
      tpu.yield
    }) : () -> ()
    %dma_start3A = arith.constant 0 : i32
    %dma_start3A_7 = arith.constant 0 : i32
    %dma_start3A_8 = tpu.memref_slice %arg4[%dma_start3A, %dma_start3A_7] : memref<1000x128xbf16, #tpu.memory_space<hbm>> -> memref<1000x128xbf16, #tpu.memory_space<hbm>>
    tpu.enqueue_indirect_dma source(%dma_start3A_8 : memref<1000x128xbf16, #tpu.memory_space<hbm>>) target(%arg10 : memref<128x128xbf16, #tpu.memory_space<vmem>>) offsets(%arg6 : memref<128xi32, #tpu.memory_space<vmem>>) semaphore(%arg15 : memref<!tpu.dma_semaphore, #tpu.memory_space<semaphore_mem>>)
    %dma_start3A_9 = arith.constant 0 : i32
    %dma_start3A_10 = arith.constant 0 : i32
    %dma_start3A_11 = tpu.memref_slice %arg4[%dma_start3A_9, %dma_start3A_10] : memref<1000x128xbf16, #tpu.memory_space<hbm>> -> memref<1000x128xbf16, #tpu.memory_space<hbm>>
    tpu.enqueue_indirect_dma source(%dma_start3A_11 : memref<1000x128xbf16, #tpu.memory_space<hbm>>) target(%arg11 : memref<128x128xbf16, #tpu.memory_space<vmem>>) offsets(%arg7 : memref<128xi32, #tpu.memory_space<vmem>>) semaphore(%arg16 : memref<!tpu.dma_semaphore, #tpu.memory_space<semaphore_mem>>)
    %add3A_12 = arith.constant 128 : i32
    %add3A_13 = arith.addi %mul3A_2, %add3A_12 : i32
    "tpu.region"() ({
      %run_scoped3A = tpu.sem_alloc : memref<!tpu.dma_semaphore, #tpu.memory_space<semaphore_mem>>
      %dma_start3A_70 = tpu.memref_slice %arg2[%add3A_13] : memref<16384xi32, #tpu.memory_space<hbm>> -> memref<128xi32, #tpu.memory_space<hbm>>
      %dma_start3A_71 = tpu.memref_slice %arg2[%add3A_13] : memref<16384xi32, #tpu.memory_space<hbm>> -> memref<128xi32, #tpu.memory_space<hbm>>
      tpu.enqueue_dma source(%dma_start3A_71 : memref<128xi32, #tpu.memory_space<hbm>>) target(%arg8 : memref<128xi32, #tpu.memory_space<vmem>>) target_semaphore(%run_scoped3A : memref<!tpu.dma_semaphore, #tpu.memory_space<semaphore_mem>>)
      %dma_wait3A_72 = tpu.memref_slice %arg2[%add3A_13] : memref<16384xi32, #tpu.memory_space<hbm>> -> memref<128xi32, #tpu.memory_space<hbm>>
      %dma_wait3A_73 = tpu.memref_slice %arg2[%add3A_13] : memref<16384xi32, #tpu.memory_space<hbm>> -> memref<128xi32, #tpu.memory_space<hbm>>
      tpu.wait_dma2 semaphore(%run_scoped3A : memref<!tpu.dma_semaphore, #tpu.memory_space<semaphore_mem>>) src(%dma_wait3A_73 : memref<128xi32, #tpu.memory_space<hbm>>) dst(%arg8 : memref<128xi32, #tpu.memory_space<vmem>>)
      tpu.yield
    }) : () -> ()
    "tpu.region"() ({
      %run_scoped3A = tpu.sem_alloc : memref<!tpu.dma_semaphore, #tpu.memory_space<semaphore_mem>>
      %dma_start3A_70 = tpu.memref_slice %arg3[%add3A_13] : memref<16384xi32, #tpu.memory_space<hbm>> -> memref<128xi32, #tpu.memory_space<hbm>>
      %dma_start3A_71 = tpu.memref_slice %arg3[%add3A_13] : memref<16384xi32, #tpu.memory_space<hbm>> -> memref<128xi32, #tpu.memory_space<hbm>>
      tpu.enqueue_dma source(%dma_start3A_71 : memref<128xi32, #tpu.memory_space<hbm>>) target(%arg9 : memref<128xi32, #tpu.memory_space<vmem>>) target_semaphore(%run_scoped3A : memref<!tpu.dma_semaphore, #tpu.memory_space<semaphore_mem>>)
      %dma_wait3A_72 = tpu.memref_slice %arg3[%add3A_13] : memref<16384xi32, #tpu.memory_space<hbm>> -> memref<128xi32, #tpu.memory_space<hbm>>
      %dma_wait3A_73 = tpu.memref_slice %arg3[%add3A_13] : memref<16384xi32, #tpu.memory_space<hbm>> -> memref<128xi32, #tpu.memory_space<hbm>>
      tpu.wait_dma2 semaphore(%run_scoped3A : memref<!tpu.dma_semaphore, #tpu.memory_space<semaphore_mem>>) src(%dma_wait3A_73 : memref<128xi32, #tpu.memory_space<hbm>>) dst(%arg9 : memref<128xi32, #tpu.memory_space<vmem>>)
      tpu.yield
    }) : () -> ()
    %dma_start3A_14 = arith.constant 0 : i32
    %dma_start3A_15 = arith.constant 0 : i32
    %dma_start3A_16 = tpu.memref_slice %arg4[%dma_start3A_14, %dma_start3A_15] : memref<1000x128xbf16, #tpu.memory_space<hbm>> -> memref<1000x128xbf16, #tpu.memory_space<hbm>>
    tpu.enqueue_indirect_dma source(%dma_start3A_16 : memref<1000x128xbf16, #tpu.memory_space<hbm>>) target(%arg12 : memref<128x128xbf16, #tpu.memory_space<vmem>>) offsets(%arg8 : memref<128xi32, #tpu.memory_space<vmem>>) semaphore(%arg17 : memref<!tpu.dma_semaphore, #tpu.memory_space<semaphore_mem>>)
    %dma_start3A_17 = arith.constant 0 : i32
    %dma_start3A_18 = arith.constant 0 : i32
    %dma_start3A_19 = tpu.memref_slice %arg4[%dma_start3A_17, %dma_start3A_18] : memref<1000x128xbf16, #tpu.memory_space<hbm>> -> memref<1000x128xbf16, #tpu.memory_space<hbm>>
    tpu.enqueue_indirect_dma source(%dma_start3A_19 : memref<1000x128xbf16, #tpu.memory_space<hbm>>) target(%arg13 : memref<128x128xbf16, #tpu.memory_space<vmem>>) offsets(%arg9 : memref<128xi32, #tpu.memory_space<vmem>>) semaphore(%arg18 : memref<!tpu.dma_semaphore, #tpu.memory_space<semaphore_mem>>)
    %dma_wait3A = arith.constant 0 : i32
    %dma_wait3A_20 = arith.constant 0 : i32
    %dma_wait3A_21 = tpu.memref_slice %arg4[%dma_wait3A, %dma_wait3A_20] : memref<1000x128xbf16, #tpu.memory_space<hbm>> -> memref<1000x128xbf16, #tpu.memory_space<hbm>>
    tpu.wait_indirect_dma semaphore(%arg15 : memref<!tpu.dma_semaphore, #tpu.memory_space<semaphore_mem>>) src(%dma_wait3A_21 : memref<1000x128xbf16, #tpu.memory_space<hbm>>) dst(%arg10 : memref<128x128xbf16, #tpu.memory_space<vmem>>)
    %dma_wait3A_22 = arith.constant 0 : i32
    %dma_wait3A_23 = arith.constant 0 : i32
    %dma_wait3A_24 = tpu.memref_slice %arg4[%dma_wait3A_22, %dma_wait3A_23] : memref<1000x128xbf16, #tpu.memory_space<hbm>> -> memref<1000x128xbf16, #tpu.memory_space<hbm>>
    tpu.wait_indirect_dma semaphore(%arg16 : memref<!tpu.dma_semaphore, #tpu.memory_space<semaphore_mem>>) src(%dma_wait3A_24 : memref<1000x128xbf16, #tpu.memory_space<hbm>>) dst(%arg11 : memref<128x128xbf16, #tpu.memory_space<vmem>>)
    %parallel_loop3A = arith.constant 0 : i32
    %parallel_loop3A_25 = arith.constant 128 : i32
    %parallel_loop3A_26 = arith.constant 1 : i32
    scf.for %parallel_loop3A_70 = %parallel_loop3A to %parallel_loop3A_25 step %parallel_loop3A_26  : i32 {
      %parallel_loop3A_71 = arith.constant 0.000000e+00 : f32
      %parallel_loop3A_72 = vector.broadcast %parallel_loop3A_71 : f32 to vector<16xf32>
      %parallel_loop3A_73 = arith.constant 0.000000e+00 : f32
      %parallel_loop3A_74 = vector.broadcast %parallel_loop3A_73 : f32 to vector<16xf32>
      %parallel_loop3A_75 = arith.index_cast %parallel_loop3A_70 : i32 to index
      %parallel_loop3A_76 = arith.constant 0 : index
      %parallel_loop3A_77 = tpu.vector_load %arg10[%parallel_loop3A_75, %parallel_loop3A_76] {strides = array<i32>} : memref<128x128xbf16, #tpu.memory_space<vmem>>, vector<32xbf16>,
      %parallel_loop3A_78 = arith.index_cast %parallel_loop3A_70 : i32 to index
      %parallel_loop3A_79 = arith.constant 0 : index
      %parallel_loop3A_80 = tpu.vector_load %arg11[%parallel_loop3A_78, %parallel_loop3A_79] {strides = array<i32>} : memref<128x128xbf16, #tpu.memory_space<vmem>>, vector<32xbf16>,
      %parallel_loop3A_81 = arith.mulf %parallel_loop3A_77, %parallel_loop3A_80 : vector<32xbf16>
      %parallel_loop3A_82 = tpu.unpack_subelements %parallel_loop3A_81, 0 {pack_format = #tpu.pack_format<interleaved>} : vector<32xbf16> -> vector<16xf32>
      %parallel_loop3A_83 = tpu.unpack_subelements %parallel_loop3A_81, 1 {pack_format = #tpu.pack_format<interleaved>} : vector<32xbf16> -> vector<16xf32>
      %parallel_loop3A_84 = arith.addf %parallel_loop3A_72, %parallel_loop3A_82 : vector<16xf32>
      %parallel_loop3A_85 = arith.addf %parallel_loop3A_74, %parallel_loop3A_83 : vector<16xf32>
      %parallel_loop3A_86 = arith.index_cast %parallel_loop3A_70 : i32 to index
      %parallel_loop3A_87 = arith.constant 32 : index
      %parallel_loop3A_88 = tpu.vector_load %arg10[%parallel_loop3A_86, %parallel_loop3A_87] {strides = array<i32>} : memref<128x128xbf16, #tpu.memory_space<vmem>>, vector<32xbf16>,
      %parallel_loop3A_89 = arith.index_cast %parallel_loop3A_70 : i32 to index
      %parallel_loop3A_90 = arith.constant 32 : index
      %parallel_loop3A_91 = tpu.vector_load %arg11[%parallel_loop3A_89, %parallel_loop3A_90] {strides = array<i32>} : memref<128x128xbf16, #tpu.memory_space<vmem>>, vector<32xbf16>,
      %parallel_loop3A_92 = arith.mulf %parallel_loop3A_88, %parallel_loop3A_91 : vector<32xbf16>
      %parallel_loop3A_93 = tpu.unpack_subelements %parallel_loop3A_92, 0 {pack_format = #tpu.pack_format<interleaved>} : vector<32xbf16> -> vector<16xf32>
      %parallel_loop3A_94 = tpu.unpack_subelements %parallel_loop3A_92, 1 {pack_format = #tpu.pack_format<interleaved>} : vector<32xbf16> -> vector<16xf32>
      %parallel_loop3A_95 = arith.addf %parallel_loop3A_84, %parallel_loop3A_93 : vector<16xf32>
      %parallel_loop3A_96 = arith.addf %parallel_loop3A_85, %parallel_loop3A_94 : vector<16xf32>
      %parallel_loop3A_97 = arith.index_cast %parallel_loop3A_70 : i32 to index
      %parallel_loop3A_98 = arith.constant 64 : index
      %parallel_loop3A_99 = tpu.vector_load %arg10[%parallel_loop3A_97, %parallel_loop3A_98] {strides = array<i32>} : memref<128x128xbf16, #tpu.memory_space<vmem>>, vector<32xbf16>,
      %parallel_loop3A_100 = arith.index_cast %parallel_loop3A_70 : i32 to index
      %parallel_loop3A_101 = arith.constant 64 : index
      %parallel_loop3A_102 = tpu.vector_load %arg11[%parallel_loop3A_100, %parallel_loop3A_101] {strides = array<i32>} : memref<128x128xbf16, #tpu.memory_space<vmem>>, vector<32xbf16>,
      %parallel_loop3A_103 = arith.mulf %parallel_loop3A_99, %parallel_loop3A_102 : vector<32xbf16>
      %parallel_loop3A_104 = tpu.unpack_subelements %parallel_loop3A_103, 0 {pack_format = #tpu.pack_format<interleaved>} : vector<32xbf16> -> vector<16xf32>
      %parallel_loop3A_105 = tpu.unpack_subelements %parallel_loop3A_103, 1 {pack_format = #tpu.pack_format<interleaved>} : vector<32xbf16> -> vector<16xf32>
      %parallel_loop3A_106 = arith.addf %parallel_loop3A_95, %parallel_loop3A_104 : vector<16xf32>
      %parallel_loop3A_107 = arith.addf %parallel_loop3A_96, %parallel_loop3A_105 : vector<16xf32>
      %parallel_loop3A_108 = arith.index_cast %parallel_loop3A_70 : i32 to index
      %parallel_loop3A_109 = arith.constant 96 : index
      %parallel_loop3A_110 = tpu.vector_load %arg10[%parallel_loop3A_108, %parallel_loop3A_109] {strides = array<i32>} : memref<128x128xbf16, #tpu.memory_space<vmem>>, vector<32xbf16>,
      %parallel_loop3A_111 = arith.index_cast %parallel_loop3A_70 : i32 to index
      %parallel_loop3A_112 = arith.constant 96 : index
      %parallel_loop3A_113 = tpu.vector_load %arg11[%parallel_loop3A_111, %parallel_loop3A_112] {strides = array<i32>} : memref<128x128xbf16, #tpu.memory_space<vmem>>, vector<32xbf16>,
      %parallel_loop3A_114 = arith.mulf %parallel_loop3A_110, %parallel_loop3A_113 : vector<32xbf16>
      %parallel_loop3A_115 = tpu.unpack_subelements %parallel_loop3A_114, 0 {pack_format = #tpu.pack_format<interleaved>} : vector<32xbf16> -> vector<16xf32>
      %parallel_loop3A_116 = tpu.unpack_subelements %parallel_loop3A_114, 1 {pack_format = #tpu.pack_format<interleaved>} : vector<32xbf16> -> vector<16xf32>
      %parallel_loop3A_117 = arith.addf %parallel_loop3A_106, %parallel_loop3A_115 : vector<16xf32>
      %parallel_loop3A_118 = arith.addf %parallel_loop3A_107, %parallel_loop3A_116 : vector<16xf32>
      %parallel_loop3A_119 = arith.addf %parallel_loop3A_117, %parallel_loop3A_118 : vector<16xf32>
      %parallel_loop3A_120 = arith.constant true
      %parallel_loop3A_121 = vector.broadcast %parallel_loop3A_120 : i1 to vector<16xi1>
      %parallel_loop3A_122 = tpu.scan <sum>, %parallel_loop3A_119 masked %parallel_loop3A_121 : vector<16xf32>, vector<16xi1> -> vector<16xf32>
      %parallel_loop3A_123 = arith.constant 0 : i32
      %parallel_loop3A_124 = arith.addi %parallel_loop3A_123, %parallel_loop3A_70 : i32
      %parallel_loop3A_125 = vector.broadcast %parallel_loop3A_124 : i32 to vector<16xi32>
      tpu.vector_store_idx %arg14[%parallel_loop3A_125], %parallel_loop3A_122 masked %eq3A_4 : memref<512xf32, #tpu.memory_space<vmem>>[vector<16xi32>], vector<16xf32>, vector<16xi1>
    } {sc.loop_unroll_factor = 2 : i64, sc.parallel_access}
    %add3A_27 = arith.constant 256 : i32
    %add3A_28 = arith.addi %mul3A_2, %add3A_27 : i32
    "tpu.region"() ({
      %run_scoped3A = tpu.sem_alloc : memref<!tpu.dma_semaphore, #tpu.memory_space<semaphore_mem>>
      %dma_start3A_70 = tpu.memref_slice %arg2[%add3A_28] : memref<16384xi32, #tpu.memory_space<hbm>> -> memref<128xi32, #tpu.memory_space<hbm>>
      %dma_start3A_71 = tpu.memref_slice %arg2[%add3A_28] : memref<16384xi32, #tpu.memory_space<hbm>> -> memref<128xi32, #tpu.memory_space<hbm>>
      tpu.enqueue_dma source(%dma_start3A_71 : memref<128xi32, #tpu.memory_space<hbm>>) target(%arg6 : memref<128xi32, #tpu.memory_space<vmem>>) target_semaphore(%run_scoped3A : memref<!tpu.dma_semaphore, #tpu.memory_space<semaphore_mem>>)
      %dma_wait3A_72 = tpu.memref_slice %arg2[%add3A_28] : memref<16384xi32, #tpu.memory_space<hbm>> -> memref<128xi32, #tpu.memory_space<hbm>>
      %dma_wait3A_73 = tpu.memref_slice %arg2[%add3A_28] : memref<16384xi32, #tpu.memory_space<hbm>> -> memref<128xi32, #tpu.memory_space<hbm>>
      tpu.wait_dma2 semaphore(%run_scoped3A : memref<!tpu.dma_semaphore, #tpu.memory_space<semaphore_mem>>) src(%dma_wait3A_73 : memref<128xi32, #tpu.memory_space<hbm>>) dst(%arg6 : memref<128xi32, #tpu.memory_space<vmem>>)
      tpu.yield
    }) : () -> ()
    "tpu.region"() ({
      %run_scoped3A = tpu.sem_alloc : memref<!tpu.dma_semaphore, #tpu.memory_space<semaphore_mem>>
      %dma_start3A_70 = tpu.memref_slice %arg3[%add3A_28] : memref<16384xi32, #tpu.memory_space<hbm>> -> memref<128xi32, #tpu.memory_space<hbm>>
      %dma_start3A_71 = tpu.memref_slice %arg3[%add3A_28] : memref<16384xi32, #tpu.memory_space<hbm>> -> memref<128xi32, #tpu.memory_space<hbm>>
      tpu.enqueue_dma source(%dma_start3A_71 : memref<128xi32, #tpu.memory_space<hbm>>) target(%arg7 : memref<128xi32, #tpu.memory_space<vmem>>) target_semaphore(%run_scoped3A : memref<!tpu.dma_semaphore, #tpu.memory_space<semaphore_mem>>)
      %dma_wait3A_72 = tpu.memref_slice %arg3[%add3A_28] : memref<16384xi32, #tpu.memory_space<hbm>> -> memref<128xi32, #tpu.memory_space<hbm>>
      %dma_wait3A_73 = tpu.memref_slice %arg3[%add3A_28] : memref<16384xi32, #tpu.memory_space<hbm>> -> memref<128xi32, #tpu.memory_space<hbm>>
      tpu.wait_dma2 semaphore(%run_scoped3A : memref<!tpu.dma_semaphore, #tpu.memory_space<semaphore_mem>>) src(%dma_wait3A_73 : memref<128xi32, #tpu.memory_space<hbm>>) dst(%arg7 : memref<128xi32, #tpu.memory_space<vmem>>)
      tpu.yield
    }) : () -> ()
    %dma_start3A_29 = arith.constant 0 : i32
    %dma_start3A_30 = arith.constant 0 : i32
    %dma_start3A_31 = tpu.memref_slice %arg4[%dma_start3A_29, %dma_start3A_30] : memref<1000x128xbf16, #tpu.memory_space<hbm>> -> memref<1000x128xbf16, #tpu.memory_space<hbm>>
    tpu.enqueue_indirect_dma source(%dma_start3A_31 : memref<1000x128xbf16, #tpu.memory_space<hbm>>) target(%arg10 : memref<128x128xbf16, #tpu.memory_space<vmem>>) offsets(%arg6 : memref<128xi32, #tpu.memory_space<vmem>>) semaphore(%arg15 : memref<!tpu.dma_semaphore, #tpu.memory_space<semaphore_mem>>)
    %dma_start3A_32 = arith.constant 0 : i32
    %dma_start3A_33 = arith.constant 0 : i32
    %dma_start3A_34 = tpu.memref_slice %arg4[%dma_start3A_32, %dma_start3A_33] : memref<1000x128xbf16, #tpu.memory_space<hbm>> -> memref<1000x128xbf16, #tpu.memory_space<hbm>>
    tpu.enqueue_indirect_dma source(%dma_start3A_34 : memref<1000x128xbf16, #tpu.memory_space<hbm>>) target(%arg11 : memref<128x128xbf16, #tpu.memory_space<vmem>>) offsets(%arg7 : memref<128xi32, #tpu.memory_space<vmem>>) semaphore(%arg16 : memref<!tpu.dma_semaphore, #tpu.memory_space<semaphore_mem>>)
    %dma_wait3A_35 = arith.constant 0 : i32
    %dma_wait3A_36 = arith.constant 0 : i32
    %dma_wait3A_37 = tpu.memref_slice %arg4[%dma_wait3A_35, %dma_wait3A_36] : memref<1000x128xbf16, #tpu.memory_space<hbm>> -> memref<1000x128xbf16, #tpu.memory_space<hbm>>
    tpu.wait_indirect_dma semaphore(%arg17 : memref<!tpu.dma_semaphore, #tpu.memory_space<semaphore_mem>>) src(%dma_wait3A_37 : memref<1000x128xbf16, #tpu.memory_space<hbm>>) dst(%arg12 : memref<128x128xbf16, #tpu.memory_space<vmem>>)
    %dma_wait3A_38 = arith.constant 0 : i32
    %dma_wait3A_39 = arith.constant 0 : i32
    %dma_wait3A_40 = tpu.memref_slice %arg4[%dma_wait3A_38, %dma_wait3A_39] : memref<1000x128xbf16, #tpu.memory_space<hbm>> -> memref<1000x128xbf16, #tpu.memory_space<hbm>>
    tpu.wait_indirect_dma semaphore(%arg18 : memref<!tpu.dma_semaphore, #tpu.memory_space<semaphore_mem>>) src(%dma_wait3A_40 : memref<1000x128xbf16, #tpu.memory_space<hbm>>) dst(%arg13 : memref<128x128xbf16, #tpu.memory_space<vmem>>)
    %parallel_loop3A_41 = arith.constant 0 : i32
    %parallel_loop3A_42 = arith.constant 128 : i32
    %parallel_loop3A_43 = arith.constant 1 : i32
    scf.for %parallel_loop3A_70 = %parallel_loop3A_41 to %parallel_loop3A_42 step %parallel_loop3A_43  : i32 {
      %parallel_loop3A_71 = arith.constant 0.000000e+00 : f32
      %parallel_loop3A_72 = vector.broadcast %parallel_loop3A_71 : f32 to vector<16xf32>
      %parallel_loop3A_73 = arith.constant 0.000000e+00 : f32
      %parallel_loop3A_74 = vector.broadcast %parallel_loop3A_73 : f32 to vector<16xf32>
      %parallel_loop3A_75 = arith.index_cast %parallel_loop3A_70 : i32 to index
      %parallel_loop3A_76 = arith.constant 0 : index
      %parallel_loop3A_77 = tpu.vector_load %arg12[%parallel_loop3A_75, %parallel_loop3A_76] {strides = array<i32>} : memref<128x128xbf16, #tpu.memory_space<vmem>>, vector<32xbf16>,
      %parallel_loop3A_78 = arith.index_cast %parallel_loop3A_70 : i32 to index
      %parallel_loop3A_79 = arith.constant 0 : index
      %parallel_loop3A_80 = tpu.vector_load %arg13[%parallel_loop3A_78, %parallel_loop3A_79] {strides = array<i32>} : memref<128x128xbf16, #tpu.memory_space<vmem>>, vector<32xbf16>,
      %parallel_loop3A_81 = arith.mulf %parallel_loop3A_77, %parallel_loop3A_80 : vector<32xbf16>
      %parallel_loop3A_82 = tpu.unpack_subelements %parallel_loop3A_81, 0 {pack_format = #tpu.pack_format<interleaved>} : vector<32xbf16> -> vector<16xf32>
      %parallel_loop3A_83 = tpu.unpack_subelements %parallel_loop3A_81, 1 {pack_format = #tpu.pack_format<interleaved>} : vector<32xbf16> -> vector<16xf32>
      %parallel_loop3A_84 = arith.addf %parallel_loop3A_72, %parallel_loop3A_82 : vector<16xf32>
      %parallel_loop3A_85 = arith.addf %parallel_loop3A_74, %parallel_loop3A_83 : vector<16xf32>
      %parallel_loop3A_86 = arith.index_cast %parallel_loop3A_70 : i32 to index
      %parallel_loop3A_87 = arith.constant 32 : index
      %parallel_loop3A_88 = tpu.vector_load %arg12[%parallel_loop3A_86, %parallel_loop3A_87] {strides = array<i32>} : memref<128x128xbf16, #tpu.memory_space<vmem>>, vector<32xbf16>,
      %parallel_loop3A_89 = arith.index_cast %parallel_loop3A_70 : i32 to index
      %parallel_loop3A_90 = arith.constant 32 : index
      %parallel_loop3A_91 = tpu.vector_load %arg13[%parallel_loop3A_89, %parallel_loop3A_90] {strides = array<i32>} : memref<128x128xbf16, #tpu.memory_space<vmem>>, vector<32xbf16>,
      %parallel_loop3A_92 = arith.mulf %parallel_loop3A_88, %parallel_loop3A_91 : vector<32xbf16>
      %parallel_loop3A_93 = tpu.unpack_subelements %parallel_loop3A_92, 0 {pack_format = #tpu.pack_format<interleaved>} : vector<32xbf16> -> vector<16xf32>
      %parallel_loop3A_94 = tpu.unpack_subelements %parallel_loop3A_92, 1 {pack_format = #tpu.pack_format<interleaved>} : vector<32xbf16> -> vector<16xf32>
      %parallel_loop3A_95 = arith.addf %parallel_loop3A_84, %parallel_loop3A_93 : vector<16xf32>
      %parallel_loop3A_96 = arith.addf %parallel_loop3A_85, %parallel_loop3A_94 : vector<16xf32>
      %parallel_loop3A_97 = arith.index_cast %parallel_loop3A_70 : i32 to index
      %parallel_loop3A_98 = arith.constant 64 : index
      %parallel_loop3A_99 = tpu.vector_load %arg12[%parallel_loop3A_97, %parallel_loop3A_98] {strides = array<i32>} : memref<128x128xbf16, #tpu.memory_space<vmem>>, vector<32xbf16>,
      %parallel_loop3A_100 = arith.index_cast %parallel_loop3A_70 : i32 to index
      %parallel_loop3A_101 = arith.constant 64 : index
      %parallel_loop3A_102 = tpu.vector_load %arg13[%parallel_loop3A_100, %parallel_loop3A_101] {strides = array<i32>} : memref<128x128xbf16, #tpu.memory_space<vmem>>, vector<32xbf16>,
      %parallel_loop3A_103 = arith.mulf %parallel_loop3A_99, %parallel_loop3A_102 : vector<32xbf16>
      %parallel_loop3A_104 = tpu.unpack_subelements %parallel_loop3A_103, 0 {pack_format = #tpu.pack_format<interleaved>} : vector<32xbf16> -> vector<16xf32>
      %parallel_loop3A_105 = tpu.unpack_subelements %parallel_loop3A_103, 1 {pack_format = #tpu.pack_format<interleaved>} : vector<32xbf16> -> vector<16xf32>
      %parallel_loop3A_106 = arith.addf %parallel_loop3A_95, %parallel_loop3A_104 : vector<16xf32>
      %parallel_loop3A_107 = arith.addf %parallel_loop3A_96, %parallel_loop3A_105 : vector<16xf32>
      %parallel_loop3A_108 = arith.index_cast %parallel_loop3A_70 : i32 to index
      %parallel_loop3A_109 = arith.constant 96 : index
      %parallel_loop3A_110 = tpu.vector_load %arg12[%parallel_loop3A_108, %parallel_loop3A_109] {strides = array<i32>} : memref<128x128xbf16, #tpu.memory_space<vmem>>, vector<32xbf16>,
      %parallel_loop3A_111 = arith.index_cast %parallel_loop3A_70 : i32 to index
      %parallel_loop3A_112 = arith.constant 96 : index
      %parallel_loop3A_113 = tpu.vector_load %arg13[%parallel_loop3A_111, %parallel_loop3A_112] {strides = array<i32>} : memref<128x128xbf16, #tpu.memory_space<vmem>>, vector<32xbf16>,
      %parallel_loop3A_114 = arith.mulf %parallel_loop3A_110, %parallel_loop3A_113 : vector<32xbf16>
      %parallel_loop3A_115 = tpu.unpack_subelements %parallel_loop3A_114, 0 {pack_format = #tpu.pack_format<interleaved>} : vector<32xbf16> -> vector<16xf32>
      %parallel_loop3A_116 = tpu.unpack_subelements %parallel_loop3A_114, 1 {pack_format = #tpu.pack_format<interleaved>} : vector<32xbf16> -> vector<16xf32>
      %parallel_loop3A_117 = arith.addf %parallel_loop3A_106, %parallel_loop3A_115 : vector<16xf32>
      %parallel_loop3A_118 = arith.addf %parallel_loop3A_107, %parallel_loop3A_116 : vector<16xf32>
      %parallel_loop3A_119 = arith.addf %parallel_loop3A_117, %parallel_loop3A_118 : vector<16xf32>
      %parallel_loop3A_120 = arith.constant true
      %parallel_loop3A_121 = vector.broadcast %parallel_loop3A_120 : i1 to vector<16xi1>
      %parallel_loop3A_122 = tpu.scan <sum>, %parallel_loop3A_119 masked %parallel_loop3A_121 : vector<16xf32>, vector<16xi1> -> vector<16xf32>
      %parallel_loop3A_123 = arith.constant 128 : i32
      %parallel_loop3A_124 = arith.addi %parallel_loop3A_123, %parallel_loop3A_70 : i32
      %parallel_loop3A_125 = vector.broadcast %parallel_loop3A_124 : i32 to vector<16xi32>
      tpu.vector_store_idx %arg14[%parallel_loop3A_125], %parallel_loop3A_122 masked %eq3A_4 : memref<512xf32, #tpu.memory_space<vmem>>[vector<16xi32>], vector<16xf32>, vector<16xi1>
    } {sc.loop_unroll_factor = 2 : i64, sc.parallel_access}
    %add3A_44 = arith.constant 384 : i32
    %add3A_45 = arith.addi %mul3A_2, %add3A_44 : i32
    "tpu.region"() ({
      %run_scoped3A = tpu.sem_alloc : memref<!tpu.dma_semaphore, #tpu.memory_space<semaphore_mem>>
      %dma_start3A_70 = tpu.memref_slice %arg2[%add3A_45] : memref<16384xi32, #tpu.memory_space<hbm>> -> memref<128xi32, #tpu.memory_space<hbm>>
      %dma_start3A_71 = tpu.memref_slice %arg2[%add3A_45] : memref<16384xi32, #tpu.memory_space<hbm>> -> memref<128xi32, #tpu.memory_space<hbm>>
      tpu.enqueue_dma source(%dma_start3A_71 : memref<128xi32, #tpu.memory_space<hbm>>) target(%arg8 : memref<128xi32, #tpu.memory_space<vmem>>) target_semaphore(%run_scoped3A : memref<!tpu.dma_semaphore, #tpu.memory_space<semaphore_mem>>)
      %dma_wait3A_72 = tpu.memref_slice %arg2[%add3A_45] : memref<16384xi32, #tpu.memory_space<hbm>> -> memref<128xi32, #tpu.memory_space<hbm>>
      %dma_wait3A_73 = tpu.memref_slice %arg2[%add3A_45] : memref<16384xi32, #tpu.memory_space<hbm>> -> memref<128xi32, #tpu.memory_space<hbm>>
      tpu.wait_dma2 semaphore(%run_scoped3A : memref<!tpu.dma_semaphore, #tpu.memory_space<semaphore_mem>>) src(%dma_wait3A_73 : memref<128xi32, #tpu.memory_space<hbm>>) dst(%arg8 : memref<128xi32, #tpu.memory_space<vmem>>)
      tpu.yield
    }) : () -> ()
    "tpu.region"() ({
      %run_scoped3A = tpu.sem_alloc : memref<!tpu.dma_semaphore, #tpu.memory_space<semaphore_mem>>
      %dma_start3A_70 = tpu.memref_slice %arg3[%add3A_45] : memref<16384xi32, #tpu.memory_space<hbm>> -> memref<128xi32, #tpu.memory_space<hbm>>
      %dma_start3A_71 = tpu.memref_slice %arg3[%add3A_45] : memref<16384xi32, #tpu.memory_space<hbm>> -> memref<128xi32, #tpu.memory_space<hbm>>
      tpu.enqueue_dma source(%dma_start3A_71 : memref<128xi32, #tpu.memory_space<hbm>>) target(%arg9 : memref<128xi32, #tpu.memory_space<vmem>>) target_semaphore(%run_scoped3A : memref<!tpu.dma_semaphore, #tpu.memory_space<semaphore_mem>>)
      %dma_wait3A_72 = tpu.memref_slice %arg3[%add3A_45] : memref<16384xi32, #tpu.memory_space<hbm>> -> memref<128xi32, #tpu.memory_space<hbm>>
      %dma_wait3A_73 = tpu.memref_slice %arg3[%add3A_45] : memref<16384xi32, #tpu.memory_space<hbm>> -> memref<128xi32, #tpu.memory_space<hbm>>
      tpu.wait_dma2 semaphore(%run_scoped3A : memref<!tpu.dma_semaphore, #tpu.memory_space<semaphore_mem>>) src(%dma_wait3A_73 : memref<128xi32, #tpu.memory_space<hbm>>) dst(%arg9 : memref<128xi32, #tpu.memory_space<vmem>>)
      tpu.yield
    }) : () -> ()
    %dma_start3A_46 = arith.constant 0 : i32
    %dma_start3A_47 = arith.constant 0 : i32
    %dma_start3A_48 = tpu.memref_slice %arg4[%dma_start3A_46, %dma_start3A_47] : memref<1000x128xbf16, #tpu.memory_space<hbm>> -> memref<1000x128xbf16, #tpu.memory_space<hbm>>
    tpu.enqueue_indirect_dma source(%dma_start3A_48 : memref<1000x128xbf16, #tpu.memory_space<hbm>>) target(%arg12 : memref<128x128xbf16, #tpu.memory_space<vmem>>) offsets(%arg8 : memref<128xi32, #tpu.memory_space<vmem>>) semaphore(%arg17 : memref<!tpu.dma_semaphore, #tpu.memory_space<semaphore_mem>>)
    %dma_start3A_49 = arith.constant 0 : i32
    %dma_start3A_50 = arith.constant 0 : i32
    %dma_start3A_51 = tpu.memref_slice %arg4[%dma_start3A_49, %dma_start3A_50] : memref<1000x128xbf16, #tpu.memory_space<hbm>> -> memref<1000x128xbf16, #tpu.memory_space<hbm>>
    tpu.enqueue_indirect_dma source(%dma_start3A_51 : memref<1000x128xbf16, #tpu.memory_space<hbm>>) target(%arg13 : memref<128x128xbf16, #tpu.memory_space<vmem>>) offsets(%arg9 : memref<128xi32, #tpu.memory_space<vmem>>) semaphore(%arg18 : memref<!tpu.dma_semaphore, #tpu.memory_space<semaphore_mem>>)
    %dma_wait3A_52 = arith.constant 0 : i32
    %dma_wait3A_53 = arith.constant 0 : i32
    %dma_wait3A_54 = tpu.memref_slice %arg4[%dma_wait3A_52, %dma_wait3A_53] : memref<1000x128xbf16, #tpu.memory_space<hbm>> -> memref<1000x128xbf16, #tpu.memory_space<hbm>>
    tpu.wait_indirect_dma semaphore(%arg15 : memref<!tpu.dma_semaphore, #tpu.memory_space<semaphore_mem>>) src(%dma_wait3A_54 : memref<1000x128xbf16, #tpu.memory_space<hbm>>) dst(%arg10 : memref<128x128xbf16, #tpu.memory_space<vmem>>)
    %dma_wait3A_55 = arith.constant 0 : i32
    %dma_wait3A_56 = arith.constant 0 : i32
    %dma_wait3A_57 = tpu.memref_slice %arg4[%dma_wait3A_55, %dma_wait3A_56] : memref<1000x128xbf16, #tpu.memory_space<hbm>> -> memref<1000x128xbf16, #tpu.memory_space<hbm>>
    tpu.wait_indirect_dma semaphore(%arg16 : memref<!tpu.dma_semaphore, #tpu.memory_space<semaphore_mem>>) src(%dma_wait3A_57 : memref<1000x128xbf16, #tpu.memory_space<hbm>>) dst(%arg11 : memref<128x128xbf16, #tpu.memory_space<vmem>>)
    %parallel_loop3A_58 = arith.constant 0 : i32
    %parallel_loop3A_59 = arith.constant 128 : i32
    %parallel_loop3A_60 = arith.constant 1 : i32
    scf.for %parallel_loop3A_70 = %parallel_loop3A_58 to %parallel_loop3A_59 step %parallel_loop3A_60  : i32 {
      %parallel_loop3A_71 = arith.constant 0.000000e+00 : f32
      %parallel_loop3A_72 = vector.broadcast %parallel_loop3A_71 : f32 to vector<16xf32>
      %parallel_loop3A_73 = arith.constant 0.000000e+00 : f32
      %parallel_loop3A_74 = vector.broadcast %parallel_loop3A_73 : f32 to vector<16xf32>
      %parallel_loop3A_75 = arith.index_cast %parallel_loop3A_70 : i32 to index
      %parallel_loop3A_76 = arith.constant 0 : index
      %parallel_loop3A_77 = tpu.vector_load %arg10[%parallel_loop3A_75, %parallel_loop3A_76] {strides = array<i32>} : memref<128x128xbf16, #tpu.memory_space<vmem>>, vector<32xbf16>,
      %parallel_loop3A_78 = arith.index_cast %parallel_loop3A_70 : i32 to index
      %parallel_loop3A_79 = arith.constant 0 : index
      %parallel_loop3A_80 = tpu.vector_load %arg11[%parallel_loop3A_78, %parallel_loop3A_79] {strides = array<i32>} : memref<128x128xbf16, #tpu.memory_space<vmem>>, vector<32xbf16>,
      %parallel_loop3A_81 = arith.mulf %parallel_loop3A_77, %parallel_loop3A_80 : vector<32xbf16>
      %parallel_loop3A_82 = tpu.unpack_subelements %parallel_loop3A_81, 0 {pack_format = #tpu.pack_format<interleaved>} : vector<32xbf16> -> vector<16xf32>
      %parallel_loop3A_83 = tpu.unpack_subelements %parallel_loop3A_81, 1 {pack_format = #tpu.pack_format<interleaved>} : vector<32xbf16> -> vector<16xf32>
      %parallel_loop3A_84 = arith.addf %parallel_loop3A_72, %parallel_loop3A_82 : vector<16xf32>
      %parallel_loop3A_85 = arith.addf %parallel_loop3A_74, %parallel_loop3A_83 : vector<16xf32>
      %parallel_loop3A_86 = arith.index_cast %parallel_loop3A_70 : i32 to index
      %parallel_loop3A_87 = arith.constant 32 : index
      %parallel_loop3A_88 = tpu.vector_load %arg10[%parallel_loop3A_86, %parallel_loop3A_87] {strides = array<i32>} : memref<128x128xbf16, #tpu.memory_space<vmem>>, vector<32xbf16>,
      %parallel_loop3A_89 = arith.index_cast %parallel_loop3A_70 : i32 to index
      %parallel_loop3A_90 = arith.constant 32 : index
      %parallel_loop3A_91 = tpu.vector_load %arg11[%parallel_loop3A_89, %parallel_loop3A_90] {strides = array<i32>} : memref<128x128xbf16, #tpu.memory_space<vmem>>, vector<32xbf16>,
      %parallel_loop3A_92 = arith.mulf %parallel_loop3A_88, %parallel_loop3A_91 : vector<32xbf16>
      %parallel_loop3A_93 = tpu.unpack_subelements %parallel_loop3A_92, 0 {pack_format = #tpu.pack_format<interleaved>} : vector<32xbf16> -> vector<16xf32>
      %parallel_loop3A_94 = tpu.unpack_subelements %parallel_loop3A_92, 1 {pack_format = #tpu.pack_format<interleaved>} : vector<32xbf16> -> vector<16xf32>
      %parallel_loop3A_95 = arith.addf %parallel_loop3A_84, %parallel_loop3A_93 : vector<16xf32>
      %parallel_loop3A_96 = arith.addf %parallel_loop3A_85, %parallel_loop3A_94 : vector<16xf32>
      %parallel_loop3A_97 = arith.index_cast %parallel_loop3A_70 : i32 to index
      %parallel_loop3A_98 = arith.constant 64 : index
      %parallel_loop3A_99 = tpu.vector_load %arg10[%parallel_loop3A_97, %parallel_loop3A_98] {strides = array<i32>} : memref<128x128xbf16, #tpu.memory_space<vmem>>, vector<32xbf16>,
      %parallel_loop3A_100 = arith.index_cast %parallel_loop3A_70 : i32 to index
      %parallel_loop3A_101 = arith.constant 64 : index
      %parallel_loop3A_102 = tpu.vector_load %arg11[%parallel_loop3A_100, %parallel_loop3A_101] {strides = array<i32>} : memref<128x128xbf16, #tpu.memory_space<vmem>>, vector<32xbf16>,
      %parallel_loop3A_103 = arith.mulf %parallel_loop3A_99, %parallel_loop3A_102 : vector<32xbf16>
      %parallel_loop3A_104 = tpu.unpack_subelements %parallel_loop3A_103, 0 {pack_format = #tpu.pack_format<interleaved>} : vector<32xbf16> -> vector<16xf32>
      %parallel_loop3A_105 = tpu.unpack_subelements %parallel_loop3A_103, 1 {pack_format = #tpu.pack_format<interleaved>} : vector<32xbf16> -> vector<16xf32>
      %parallel_loop3A_106 = arith.addf %parallel_loop3A_95, %parallel_loop3A_104 : vector<16xf32>
      %parallel_loop3A_107 = arith.addf %parallel_loop3A_96, %parallel_loop3A_105 : vector<16xf32>
      %parallel_loop3A_108 = arith.index_cast %parallel_loop3A_70 : i32 to index
      %parallel_loop3A_109 = arith.constant 96 : index
      %parallel_loop3A_110 = tpu.vector_load %arg10[%parallel_loop3A_108, %parallel_loop3A_109] {strides = array<i32>} : memref<128x128xbf16, #tpu.memory_space<vmem>>, vector<32xbf16>,
      %parallel_loop3A_111 = arith.index_cast %parallel_loop3A_70 : i32 to index
      %parallel_loop3A_112 = arith.constant 96 : index
      %parallel_loop3A_113 = tpu.vector_load %arg11[%parallel_loop3A_111, %parallel_loop3A_112] {strides = array<i32>} : memref<128x128xbf16, #tpu.memory_space<vmem>>, vector<32xbf16>,
      %parallel_loop3A_114 = arith.mulf %parallel_loop3A_110, %parallel_loop3A_113 : vector<32xbf16>
      %parallel_loop3A_115 = tpu.unpack_subelements %parallel_loop3A_114, 0 {pack_format = #tpu.pack_format<interleaved>} : vector<32xbf16> -> vector<16xf32>
      %parallel_loop3A_116 = tpu.unpack_subelements %parallel_loop3A_114, 1 {pack_format = #tpu.pack_format<interleaved>} : vector<32xbf16> -> vector<16xf32>
      %parallel_loop3A_117 = arith.addf %parallel_loop3A_106, %parallel_loop3A_115 : vector<16xf32>
      %parallel_loop3A_118 = arith.addf %parallel_loop3A_107, %parallel_loop3A_116 : vector<16xf32>
      %parallel_loop3A_119 = arith.addf %parallel_loop3A_117, %parallel_loop3A_118 : vector<16xf32>
      %parallel_loop3A_120 = arith.constant true
      %parallel_loop3A_121 = vector.broadcast %parallel_loop3A_120 : i1 to vector<16xi1>
      %parallel_loop3A_122 = tpu.scan <sum>, %parallel_loop3A_119 masked %parallel_loop3A_121 : vector<16xf32>, vector<16xi1> -> vector<16xf32>
      %parallel_loop3A_123 = arith.constant 256 : i32
      %parallel_loop3A_124 = arith.addi %parallel_loop3A_123, %parallel_loop3A_70 : i32
      %parallel_loop3A_125 = vector.broadcast %parallel_loop3A_124 : i32 to vector<16xi32>
      tpu.vector_store_idx %arg14[%parallel_loop3A_125], %parallel_loop3A_122 masked %eq3A_4 : memref<512xf32, #tpu.memory_space<vmem>>[vector<16xi32>], vector<16xf32>, vector<16xi1>
    } {sc.loop_unroll_factor = 2 : i64, sc.parallel_access}
    %dma_wait3A_61 = arith.constant 0 : i32
    %dma_wait3A_62 = arith.constant 0 : i32
    %dma_wait3A_63 = tpu.memref_slice %arg4[%dma_wait3A_61, %dma_wait3A_62] : memref<1000x128xbf16, #tpu.memory_space<hbm>> -> memref<1000x128xbf16, #tpu.memory_space<hbm>>
    tpu.wait_indirect_dma semaphore(%arg17 : memref<!tpu.dma_semaphore, #tpu.memory_space<semaphore_mem>>) src(%dma_wait3A_63 : memref<1000x128xbf16, #tpu.memory_space<hbm>>) dst(%arg12 : memref<128x128xbf16, #tpu.memory_space<vmem>>)
    %dma_wait3A_64 = arith.constant 0 : i32
    %dma_wait3A_65 = arith.constant 0 : i32
    %dma_wait3A_66 = tpu.memref_slice %arg4[%dma_wait3A_64, %dma_wait3A_65] : memref<1000x128xbf16, #tpu.memory_space<hbm>> -> memref<1000x128xbf16, #tpu.memory_space<hbm>>
    tpu.wait_indirect_dma semaphore(%arg18 : memref<!tpu.dma_semaphore, #tpu.memory_space<semaphore_mem>>) src(%dma_wait3A_66 : memref<1000x128xbf16, #tpu.memory_space<hbm>>) dst(%arg13 : memref<128x128xbf16, #tpu.memory_space<vmem>>)
    %parallel_loop3A_67 = arith.constant 0 : i32
    %parallel_loop3A_68 = arith.constant 128 : i32
    %parallel_loop3A_69 = arith.constant 1 : i32
    scf.for %parallel_loop3A_70 = %parallel_loop3A_67 to %parallel_loop3A_68 step %parallel_loop3A_69  : i32 {
      %parallel_loop3A_71 = arith.constant 0.000000e+00 : f32
      %parallel_loop3A_72 = vector.broadcast %parallel_loop3A_71 : f32 to vector<16xf32>
      %parallel_loop3A_73 = arith.constant 0.000000e+00 : f32
      %parallel_loop3A_74 = vector.broadcast %parallel_loop3A_73 : f32 to vector<16xf32>
      %parallel_loop3A_75 = arith.index_cast %parallel_loop3A_70 : i32 to index
      %parallel_loop3A_76 = arith.constant 0 : index
      %parallel_loop3A_77 = tpu.vector_load %arg12[%parallel_loop3A_75, %parallel_loop3A_76] {strides = array<i32>} : memref<128x128xbf16, #tpu.memory_space<vmem>>, vector<32xbf16>,
      %parallel_loop3A_78 = arith.index_cast %parallel_loop3A_70 : i32 to index
      %parallel_loop3A_79 = arith.constant 0 : index
      %parallel_loop3A_80 = tpu.vector_load %arg13[%parallel_loop3A_78, %parallel_loop3A_79] {strides = array<i32>} : memref<128x128xbf16, #tpu.memory_space<vmem>>, vector<32xbf16>,
      %parallel_loop3A_81 = arith.mulf %parallel_loop3A_77, %parallel_loop3A_80 : vector<32xbf16>
      %parallel_loop3A_82 = tpu.unpack_subelements %parallel_loop3A_81, 0 {pack_format = #tpu.pack_format<interleaved>} : vector<32xbf16> -> vector<16xf32>
      %parallel_loop3A_83 = tpu.unpack_subelements %parallel_loop3A_81, 1 {pack_format = #tpu.pack_format<interleaved>} : vector<32xbf16> -> vector<16xf32>
      %parallel_loop3A_84 = arith.addf %parallel_loop3A_72, %parallel_loop3A_82 : vector<16xf32>
      %parallel_loop3A_85 = arith.addf %parallel_loop3A_74, %parallel_loop3A_83 : vector<16xf32>
      %parallel_loop3A_86 = arith.index_cast %parallel_loop3A_70 : i32 to index
      %parallel_loop3A_87 = arith.constant 32 : index
      %parallel_loop3A_88 = tpu.vector_load %arg12[%parallel_loop3A_86, %parallel_loop3A_87] {strides = array<i32>} : memref<128x128xbf16, #tpu.memory_space<vmem>>, vector<32xbf16>,
      %parallel_loop3A_89 = arith.index_cast %parallel_loop3A_70 : i32 to index
      %parallel_loop3A_90 = arith.constant 32 : index
      %parallel_loop3A_91 = tpu.vector_load %arg13[%parallel_loop3A_89, %parallel_loop3A_90] {strides = array<i32>} : memref<128x128xbf16, #tpu.memory_space<vmem>>, vector<32xbf16>,
      %parallel_loop3A_92 = arith.mulf %parallel_loop3A_88, %parallel_loop3A_91 : vector<32xbf16>
      %parallel_loop3A_93 = tpu.unpack_subelements %parallel_loop3A_92, 0 {pack_format = #tpu.pack_format<interleaved>} : vector<32xbf16> -> vector<16xf32>
      %parallel_loop3A_94 = tpu.unpack_subelements %parallel_loop3A_92, 1 {pack_format = #tpu.pack_format<interleaved>} : vector<32xbf16> -> vector<16xf32>
      %parallel_loop3A_95 = arith.addf %parallel_loop3A_84, %parallel_loop3A_93 : vector<16xf32>
      %parallel_loop3A_96 = arith.addf %parallel_loop3A_85, %parallel_loop3A_94 : vector<16xf32>
      %parallel_loop3A_97 = arith.index_cast %parallel_loop3A_70 : i32 to index
      %parallel_loop3A_98 = arith.constant 64 : index
      %parallel_loop3A_99 = tpu.vector_load %arg12[%parallel_loop3A_97, %parallel_loop3A_98] {strides = array<i32>} : memref<128x128xbf16, #tpu.memory_space<vmem>>, vector<32xbf16>,
      %parallel_loop3A_100 = arith.index_cast %parallel_loop3A_70 : i32 to index
      %parallel_loop3A_101 = arith.constant 64 : index
      %parallel_loop3A_102 = tpu.vector_load %arg13[%parallel_loop3A_100, %parallel_loop3A_101] {strides = array<i32>} : memref<128x128xbf16, #tpu.memory_space<vmem>>, vector<32xbf16>,
      %parallel_loop3A_103 = arith.mulf %parallel_loop3A_99, %parallel_loop3A_102 : vector<32xbf16>
      %parallel_loop3A_104 = tpu.unpack_subelements %parallel_loop3A_103, 0 {pack_format = #tpu.pack_format<interleaved>} : vector<32xbf16> -> vector<16xf32>
      %parallel_loop3A_105 = tpu.unpack_subelements %parallel_loop3A_103, 1 {pack_format = #tpu.pack_format<interleaved>} : vector<32xbf16> -> vector<16xf32>
      %parallel_loop3A_106 = arith.addf %parallel_loop3A_95, %parallel_loop3A_104 : vector<16xf32>
      %parallel_loop3A_107 = arith.addf %parallel_loop3A_96, %parallel_loop3A_105 : vector<16xf32>
      %parallel_loop3A_108 = arith.index_cast %parallel_loop3A_70 : i32 to index
      %parallel_loop3A_109 = arith.constant 96 : index
      %parallel_loop3A_110 = tpu.vector_load %arg12[%parallel_loop3A_108, %parallel_loop3A_109] {strides = array<i32>} : memref<128x128xbf16, #tpu.memory_space<vmem>>, vector<32xbf16>,
      %parallel_loop3A_111 = arith.index_cast %parallel_loop3A_70 : i32 to index
      %parallel_loop3A_112 = arith.constant 96 : index
      %parallel_loop3A_113 = tpu.vector_load %arg13[%parallel_loop3A_111, %parallel_loop3A_112] {strides = array<i32>} : memref<128x128xbf16, #tpu.memory_space<vmem>>, vector<32xbf16>,
      %parallel_loop3A_114 = arith.mulf %parallel_loop3A_110, %parallel_loop3A_113 : vector<32xbf16>
      %parallel_loop3A_115 = tpu.unpack_subelements %parallel_loop3A_114, 0 {pack_format = #tpu.pack_format<interleaved>} : vector<32xbf16> -> vector<16xf32>
      %parallel_loop3A_116 = tpu.unpack_subelements %parallel_loop3A_114, 1 {pack_format = #tpu.pack_format<interleaved>} : vector<32xbf16> -> vector<16xf32>
      %parallel_loop3A_117 = arith.addf %parallel_loop3A_106, %parallel_loop3A_115 : vector<16xf32>
      %parallel_loop3A_118 = arith.addf %parallel_loop3A_107, %parallel_loop3A_116 : vector<16xf32>
      %parallel_loop3A_119 = arith.addf %parallel_loop3A_117, %parallel_loop3A_118 : vector<16xf32>
      %parallel_loop3A_120 = arith.constant true
      %parallel_loop3A_121 = vector.broadcast %parallel_loop3A_120 : i1 to vector<16xi1>
      %parallel_loop3A_122 = tpu.scan <sum>, %parallel_loop3A_119 masked %parallel_loop3A_121 : vector<16xf32>, vector<16xi1> -> vector<16xf32>
      %parallel_loop3A_123 = arith.constant 384 : i32
      %parallel_loop3A_124 = arith.addi %parallel_loop3A_123, %parallel_loop3A_70 : i32
      %parallel_loop3A_125 = vector.broadcast %parallel_loop3A_124 : i32 to vector<16xi32>
      tpu.vector_store_idx %arg14[%parallel_loop3A_125], %parallel_loop3A_122 masked %eq3A_4 : memref<512xf32, #tpu.memory_space<vmem>>[vector<16xi32>], vector<16xf32>, vector<16xi1>
    } {sc.loop_unroll_factor = 2 : i64, sc.parallel_access}
    "tpu.region"() ({
      %run_scoped3A = tpu.sem_alloc : memref<!tpu.dma_semaphore, #tpu.memory_space<semaphore_mem>>
      %dma_start3A_70 = tpu.memref_slice %arg5[%mul3A_2] : memref<16384xf32, #tpu.memory_space<hbm>> -> memref<512xf32, #tpu.memory_space<hbm>>
      %dma_start3A_71 = tpu.memref_slice %arg5[%mul3A_2] : memref<16384xf32, #tpu.memory_space<hbm>> -> memref<512xf32, #tpu.memory_space<hbm>>
      tpu.enqueue_dma source(%arg14 : memref<512xf32, #tpu.memory_space<vmem>>) target(%dma_start3A_71 : memref<512xf32, #tpu.memory_space<hbm>>) target_semaphore(%run_scoped3A : memref<!tpu.dma_semaphore, #tpu.memory_space<semaphore_mem>>)
      %dma_wait3A_72 = tpu.memref_slice %arg5[%mul3A_2] : memref<16384xf32, #tpu.memory_space<hbm>> -> memref<512xf32, #tpu.memory_space<hbm>>
      %dma_wait3A_73 = tpu.memref_slice %arg5[%mul3A_2] : memref<16384xf32, #tpu.memory_space<hbm>> -> memref<512xf32, #tpu.memory_space<hbm>>
      tpu.wait_dma2 semaphore(%run_scoped3A : memref<!tpu.dma_semaphore, #tpu.memory_space<semaphore_mem>>) src(%arg14 : memref<512xf32, #tpu.memory_space<vmem>>) dst(%dma_wait3A_73 : memref<512xf32, #tpu.memory_space<hbm>>)
      tpu.yield
    }) : () -> ()
    return
  }
}

</mosaic_0001>

<sc_bundles>
// kernel: kernel.3.cloned.1.call-start
scs
__scs_entry_jumppad:
0x0: {  	(pc) =	sbr.rel $0x88, $3  }
0x1: {  	(tag) =	ssettag $0x0;
	lr =	simm.s32 $0x1  }
0x2: {  	[smem:$0x3F9F] =	sst lr;
	_ =	strace $0xD0000000  }
0x3: {  	_ = 	snop  }
0x4: {  	_ = 	snop  }
0x5: {  	_ = 	snop  }
0x6: {  	_ = 	snop  }
0x7: {  	_ = 	snop  }
__scs_overlays_trampoline_lowered:
0x8: {  	[smem:$0x3FAE] =	sst s0  }
0x9: {  	[smem:$0x3FAF] =	sst s1  }
0xa: {  	[smem:$0x3FB0] =	sst s2  }
0xb: {  	[smem:$0x3FB1] =	sst s3  }
0xc: {  	[smem:$0x3FB2] =	sst s4  }
0xd: {  	[smem:$0x3FB3] =	sst s5  }
0xe: {  	[smem:$0x3FB4] =	sst s6  }
0xf: {  	[smem:$0x3FB5] =	sst s7  }
0x10: {  	[smem:$0x3FB6] =	sst s8  }
0x11: {  	[smem:$0x3FB7] =	sst s9;
	s0 =	simm.s32 @!p0 $0x0  }
0x12: {  	s1 =	sld [smem:$0x3F9D];
	s0 =	simm.s32 @p0 $0x1  }
0x13: {  	[smem:$0x3FB8] =	sst s0;
	s0 =	simm.s32 @!p1 $0x0  }
0x14: {  	s2 =	sld [smem:$0x3F9C];
	s0 =	simm.s32 @p1 $0x1  }
0x15: {  	[smem:$0x3FB9] =	sst s0;
	s0 =	simm.s32 @!p2 $0x0  }
0x16: {  	s3 =	sld [smem:$0x3FDB];
	s0 =	simm.s32 @p2 $0x1  }
0x17: {  	s4 =	simm.s32 $0x1BF5;
	[smem:$0x3FBB] =	sst s0  }
0x18: {  	s0 =	sld [smem:$0x3F9E];
	_ =	swait.ge [sflag:s4], $0x0  }
0x19: {  	s7 =	sld [smem:$0x3F9F]  }
0x1a: {  	s8 =	sadd.s32 $0xFFFFE003, lr  }
0x1b: {  	s9 =	sadd.s32 $0xFFFFFEF7, lr;
	s5 =	simm.s32 $0xFFFFFFFF;
	p2 =	slt.u32 s8, $0xFFFFF086  }
0x1c: {  	p1 =	slt.u32 s9, $0xF7A;
	s5 =	simm.s32 @!p2 $0x0  }
0x1d: {  	s5 =	simm.s32 @p1 $0x1;
	p0 =	seq.s32 s7, s2  }
0x1e: {  	s7 =	smul.u32 @!p0 $0xF7A, s2;
	p2 =	seq.s32 @!p0 s5, $0x0  }
0x1f: {  	s9 =	smul.u32 $0xF7A, s1;
	s8 =	simm.s32 @!p0 $0x1BF5;
	p2 =	por !p2, p0  }
0x20: {  	[sflag:s8] =	ssyncset.s32 @!p0 $0xFFFFF086;
	s6 =	sadd.s32 @!p0 s3, s7;
	s7 =	simm.s32 @!p0 $0x108  }
0x21: {  	s3 =	sadd.s32 s3, s9;
	s6 =	sadd.s32 @!p0 $0x88, s6;
	s7 =	simm.s32 @p2 $0x1082  }
0x22: {  	[simem:s7], [sflag:s8] =	dma.local @!p0 [hbm:s6], $0xF7A  }
0x23: {  	s9 =	sor.u32 $0xD0000000, s2;
	s6 =	simm.s32 $0x108;
	_ =	swait.ge @!p0 [sflag:s8], $0x0  }
0x24: {  	s3 =	sadd.s32 $0x88, s3;
	s6 =	simm.s32 @!p1 $0x1082;
	[sflag:s4] =	ssyncset.s32 $0xFFFFF086  }
0x25: {  	[simem:s6], [sflag:s4] =	dma.local [hbm:s3], $0xF7A  }
0x26: {  	[smem:$0x3F9F] =	sst s1;
	(tag) =	ssettag s2;
	_ =	strace s9  }
0x27: {  	s1 =	sld [smem:$0x3FAF]  }
0x28: {  	s2 =	sld [smem:$0x3FB0]  }
0x29: {  	s4 =	sld [smem:$0x3FB2]  }
0x2a: {  	p0 =	seq.s32 s5, $0x0;
	s5 =	sld [smem:$0x3FB3]  }
0x2b: {  	s6 =	sld [smem:$0x3FB4]  }
0x2c: {  	s7 =	sld [smem:$0x3FB5]  }
0x2d: {  	s3 =	simm.s32 $0x108;
	s8 =	sld [smem:$0x3FB6]  }
0x2e: {  	s3 =	simm.s32 @!p0 $0x1082;
	s9 =	sld [smem:$0x3FB7]  }
0x2f: {  	lr =	sadd.s32 s0, s3;
	s0 =	sld [smem:$0x3FAE]  }
0x30: {  	s3 =	sld [smem:$0x3FB1]  }
0x31: {  	[smem:$0x3FBA] =	sst s10  }
0x32: {  	s10 =	sld [smem:$0x3FB8];
	_ =	sdelay $0x3  }
0x33: {  	p0 =	seq.s32 s10, $0x1;
	s10 =	sld [smem:$0x3FBA];
	_ =	sdelay $0x3  }
0x34: {  	[smem:$0x3FBA] =	sst s10  }
0x35: {  	s10 =	sld [smem:$0x3FB9];
	_ =	sdelay $0x3  }
0x36: {  	p1 =	seq.s32 s10, $0x1;
	s10 =	sld [smem:$0x3FBA];
	_ =	sdelay $0x3  }
0x37: {  	[smem:$0x3FBA] =	sst s10  }
0x38: {  	s10 =	sld [smem:$0x3FBB]  }
0x39: {  	_ = 	snop;
	(pc) =	sbr.ind lr, $3  }
0x3a: {  	_ = 	snop  }
0x3b: {  	_ = 	snop  }
0x3c: {  	p2 =	seq.s32 s10, $0x1;
	s10 =	sld [smem:$0x3FBA]  }
0x3d: {  	_ =	shalt  }
0x3e: {  	_ =	shalt  }
0x3f: {  	_ =	shalt  }
0x40: {  	_ =	shalt  }
0x41: {  	_ =	shalt  }
0x42: {  	_ =	shalt  }
0x43: {  	_ =	shalt  }
0x44: {  	_ =	shalt  }
0x45: {  	_ =	shalt  }
0x46: {  	_ =	shalt  }
0x47: {  	_ =	shalt  }
0x48: {  	_ =	shalt  }
0x49: {  	_ =	shalt  }
0x4a: {  	_ =	shalt  }
0x4b: {  	_ =	shalt  }
0x4c: {  	_ =	shalt  }
0x4d: {  	_ =	shalt  }
0x4e: {  	_ =	shalt  }
0x4f: {  	_ =	shalt  }
0x50: {  	_ =	shalt  }
0x51: {  	_ =	shalt  }
0x52: {  	_ =	shalt  }
0x53: {  	_ =	shalt  }
0x54: {  	_ =	shalt  }
0x55: {  	_ =	shalt  }
0x56: {  	_ =	shalt  }
0x57: {  	_ =	shalt  }
0x58: {  	_ =	shalt  }
0x59: {  	_ =	shalt  }
0x5a: {  	_ =	shalt  }
0x5b: {  	_ =	shalt  }
0x5c: {  	_ =	shalt  }
0x5d: {  	_ =	shalt  }
0x5e: {  	_ =	shalt  }
0x5f: {  	_ =	shalt  }
0x60: {  	_ =	shalt  }
0x61: {  	_ =	shalt  }
0x62: {  	_ =	shalt  }
0x63: {  	_ =	shalt  }
0x64: {  	_ =	shalt  }
0x65: {  	_ =	shalt  }
0x66: {  	_ =	shalt  }
0x67: {  	_ =	shalt  }
0x68: {  	_ =	shalt  }
0x69: {  	_ =	shalt  }
0x6a: {  	_ =	shalt  }
0x6b: {  	_ =	shalt  }
0x6c: {  	_ =	shalt  }
0x6d: {  	_ =	shalt  }
0x6e: {  	_ =	shalt  }
0x6f: {  	_ =	shalt  }
0x70: {  	_ =	shalt  }
0x71: {  	_ =	shalt  }
0x72: {  	_ =	shalt  }
0x73: {  	_ =	shalt  }
0x74: {  	_ =	shalt  }
0x75: {  	_ =	shalt  }
0x76: {  	_ =	shalt  }
0x77: {  	_ =	shalt  }
0x78: {  	_ =	shalt  }
0x79: {  	_ =	shalt  }
0x7a: {  	_ =	shalt  }
0x7b: {  	_ =	shalt  }
0x7c: {  	_ =	shalt  }
0x7d: {  	_ =	shalt  }
0x7e: {  	_ =	shalt  }
0x7f: {  	_ =	shalt  }
0x80: {  	_ =	shalt  }
0x81: {  	_ =	shalt  }
0x82: {  	_ =	shalt  }
0x83: {  	_ =	shalt  }
0x84: {  	_ =	shalt  }
0x85: {  	_ =	shalt  }
0x86: {  	_ =	shalt  }
0x87: {  	_ =	shalt  }
.Lfunc_end0:
.L_simem_size_0:
called_computation_lowered:
.L_overlay_start_0:
0x88: {  	s2 =	sld [smem:$0x3FD9]  }
0x89: {  	s3 =	sld [smem:$0x3FFE];
	_ =	sdelay $0x1  }
0x8a: {  	s1 =	srdreg.scid  }
0x8b: {  	s0 =	sand.u32 $0x1, s1  }
0x8c: {  	s17 =	sshll.u32 s0, $0xA;
	s2 =	sadd.s32 s3, s2  }
0x8d: {  	s2 =	sadd.s32 s2, s17  }
0x8e: {  	[smem:$0x3FC6] =	sst s2  }
0x8f: {  	_ = 	snop  }
0x90: {  	s2 =	sld [smem:$0x3FD0];
	(tm) =	ssettm $0x1  }
0x91: {  	s18 =	sld [smem:$0x3FFB];
	_ =	sdelay $0x3  }
0x92: {  	_ =	strace s18  }
0x93: {  	s3 =	sld [smem:$0x3FFC];
	_ =	sdelay $0x3  }
0x94: {  	_ =	strace s3  }
0x95: {  	s3 =	sld [smem:$0x3FFD];
	_ =	sdelay $0x3  }
0x96: {  	_ =	strace s3  }
0x97: {  	_ =	strace $0x8FFFFFFF  }
0x98: {  	s19 =	sld [smem:$0x3FDB];
	_ =	sdelay $0x1  }
0x99: {  	s4 =	simm.s32 $_scs_section_size  }
0x9a: {  	s5 =	simm.s32 $_size__tile_overlayer_lowered;
	s6 =	simm.s32 $_tile_overlayer_lowered  }
0x9b: {  	s22 =	simm.s32 $0x1BFF;
	s21 =	sshll.u32 s6, $0x1;
	s3 =	sadd.s32 s4, s19  }
0x9c: {  	s7 =	simm.s32 $0x0;
	s20 =	sshll.u32 s5, $0x1;
	s5 =	sadd.s32 s21, s3  }
0x9d: {  	[timem:s7], [sflag:s22] =	dma.local [hbm:s5], s20  }
0x9e: {  	_ =	swait.ge [sflag:s22], s20  }
0x9f: {  	s4 =	ssub.s32 $0x0, s20;
	[sflag:s22] =	ssyncset.done $0x0  }
0xa0: {  	[sflag:s22] =	ssyncadd.s32 s4;
	_ =	sdelay $0x1  }
0xa1: {  	s23 =	simm.s32 $0x1B8B  }
0xa2: {  	_ =	swait.ge [sflag:s23], $0x1  }
0xa3: {  	[sflag:s23] =	ssyncset.done $0x0  }
0xa4: {  	s25 =	simm.s32 $0x1B8E;
	s24 =	sld [smem:$0x3FFE];
	[sflag:s23] =	ssyncadd.s32 $0xFFFFFFFF  }
0xa5: {  	s26 =	simm.s32 $execute0_lowered;
	[smem:$0x3FD2] =	sst s25  }
0xa6: {  	s5 =	sshll.u32 s26, $0x1;
	_ =	strace $0x80000046;
	[dreg:$0x1] =	wrdreg $0xFFFFFFFF  }
0xa7: {  	s28 =	simm.s32 $_size_execute0_lowered;
	s3 =	sadd.s32 s3, s5;
	[dreg:$0x0] =	wrdreg $0x0  }
0xa8: {  	s5 =	sshll.u32 s28, $0x1;
	[dreg:$0x2] =	wrdreg s3  }
0xa9: {  	[dreg:$0x3] =	wrdreg s5  }
0xaa: {  	[dreg:$0x4] =	wrdreg $0xC0  }
0xab: {  	_ =	task [dreg:s7], $0x5FFFF  }
0xac: {  	[dreg:$0x1] =	wrdreg $0xFFFFFFFF  }
0xad: {  	[dreg:$0x0] =	wrdreg $0x60  }
0xae: {  	[dreg:$0x2] =	wrdreg s24  }
0xaf: {  	[dreg:$0x3] =	wrdreg s2  }
0xb0: {  	[dreg:$0x4] =	wrdreg $0x9  }
0xb1: {  	_ =	task.clear_ibuf [dreg:s7], $0x5FFFF;
	_ =	strace $0x90000046  }
0xb2: {  	s29 =	simm.s32 $0x9;
	_ =	strace $0x80000048  }
0xb3: {  	_ =	swait.ge [sflag:s29], $0x1  }
0xb4: {  	[sflag:s29] =	ssyncadd.s32 $0xFFFFFFFF  }
0xb5: {  	_ =	strace $0x90000048  }
0xb6: {  	_ =	sfence  }
0xb7: {  	s30 =	sld [smem:$0x0];
	_ =	sdelay $0x2  }
0xb8: {  	s31 =	sshll.u32 s1, $0xD;
	s1 =	sshrl.u32 s1, $0x2  }
0xb9: {  	s3 =	sand.u32 $0x4000, s31;
	s1 =	sadd.s32 s1, s30  }
0xba: {  	s0 =	sor.u32 s3, s0;
	s1 =	sshll.u32 s1, $0x11  }
0xbb: {  	s0 =	sor.u32 s1, s0  }
0xbc: {  	s0 =	sadd.s32 $0x8F2B, s0  }
0xbd: {  	[sflag:s0] =	ssyncadd.remote.s32 $0x1  }
0xbe: {  	_ =	sfence.sel $0xFFFF  }
0xbf: {  	[dreg:$0x0] =	wrdreg $0xFFFFFFFF;
	(pc) =	sbr.abs _section_cstart, $3  }
0xc0: {  	[dreg:$0x1] =	wrdreg $0xFFFFFFFF  }
0xc1: {  	_ =	task.clear_ibuf [dreg:s7], $0x2FFFF;
	_ =	strace $0x9FFFFFFF  }
0xc2: {  	(tm) =	ssettm $0x7FFFFFFF  }
0xc3: {  	_ =	shalt  }
tec
execute0_lowered:
.L_overlay_start_1:
0x0: {  	(tag) =	ssettag $0x1  }
0x1: {  	s0 =	rddreg [dreg:$0x0]  }
0x2: {  	s2 =	rddreg [dreg:$0x1];
	s1 =	simm.s32 $0x0  }
0x3: {  	s3 =	srdreg.scid;
	s6 =	stileid.u32;
	s14 =	simm.s32 $0x5  }
0x4: {  	s15 =	simm.s32 $0x80;
	s18 =	simm.s32 $0x100;
	s19 =	simm.s32 $0x180  }
0x5: {  	s20 =	simm.s32 $0x4200;
	s21 =	simm.s32 $0x6200;
	s22 =	simm.s32 $0x1  }
0x6: {  	s23 =	simm.s32 $0x2;
	s24 =	simm.s32 $0x8200;
	s25 =	simm.s32 $0x3  }
0x7: {  	s26 =	simm.s32 $0x4;
	s28 =	simm.s32 $0x0;
	[smem:$0x7FF] =	sst s1  }
0x8: {  	s10 =	sadd.s32 $0xE00, s0;
	s3 =	sand.u32 $0x1, s3;
	s11 =	sadd.s32 $0x600, s0  }
0x9: {  	s6 =	sshll.u32 s6, $0x7;
	s4 =	ssub.s32 $0x2, s3;
	s7 =	sshll.u32 s3, $0x6  }
0xa: {  	_ =	strace $0x80000047;
	s5 =	sshrl.u32 s4, $0x1;
	s12 =	sor.u32 s7, s6  }
0xb: {  	s3 =	sadd.s32 $0x1600, s0;
	s31 =	ssub.s32 s4, s5;
	s4 =	sadd.s32 s10, s12  }
0xc: {  	s5 =	sadd.s32 s11, s12;
	s7 =	sor.u32 $0x10, s12;
	s9 =	sor.u32 $0x20, s12  }
0xd: {  	vm0 =	vcmask $0x3F3C;
	s13 =	sor.u32 $0x30, s12;
	s12 =	sadd.s32 s2, s12;
	s6 =	sadd.s32 s10, s7  }
0xe: {  	s7 =	sadd.s32 s11, s7;
	s8 =	sadd.s32 s10, s9;
	s9 =	sadd.s32 s11, s9  }
0xf: {  	s10 =	sadd.s32 s10, s13;
	s11 =	sadd.s32 s11, s13;
	s13 =	smax.u32 s31, $0x1  }
.LBB2_1:
0x10: {  	[tilespmem:s1], [sflag:$0x5] =	stream.linear.gather [hbm4b:s4+s1], $0x80, $0x38;
	[tilespmem:$0x8400] =	vst v63  }
0x11: {  	_ =	swait.ge [sflag:s14], $0x80  }
0x12: {  	[sflag:s14] =	ssyncset.done $0x0  }
0x13: {  	[sflag:s14] =	ssyncadd.s32 $0xFFFFFF80  }
0x14: {  	[tilespmem:s15], [sflag:$0x5] =	stream.linear.gather [hbm4b:s5+s1], $0x80, $0x38;
	[tilespmem:$0x8400] =	vst v63  }
0x15: {  	_ =	swait.ge [sflag:s14], $0x80  }
0x16: {  	[sflag:s14] =	ssyncset.done $0x0  }
0x17: {  	s0 =	simm.s32 $0x200;
	[sflag:s14] =	ssyncadd.s32 $0xFFFFFF80  }
0x18: {  	[tilespmem:s0], [sflag:$0x1] =	stream.indirect.gather [hbm4b:s3+s15], $0x40, s1, s15, $0xb8;
	[tilespmem:$0x8400] =	vst v63  }
0x19: {  	s16 =	simm.s32 $0x2200  }
0x1a: {  	[tilespmem:s16], [sflag:$0x2] =	stream.indirect.gather [hbm4b:s3+s15], $0x40, s15, s15, $0xb8;
	[tilespmem:$0x8400] =	vst v63  }
0x1b: {  	_ = 	snop  }
0x1c: {  	[tilespmem:s18], [sflag:$0x5] =	stream.linear.gather [hbm4b:s6+s1], $0x80, $0x38;
	[tilespmem:$0x8400] =	vst v63  }
0x1d: {  	_ =	swait.ge [sflag:s14], $0x80  }
0x1e: {  	[sflag:s14] =	ssyncset.done $0x0  }
0x1f: {  	[sflag:s14] =	ssyncadd.s32 $0xFFFFFF80  }
0x20: {  	[tilespmem:s19], [sflag:$0x5] =	stream.linear.gather [hbm4b:s7+s1], $0x80, $0x38;
	[tilespmem:$0x8400] =	vst v63  }
0x21: {  	_ =	swait.ge [sflag:s14], $0x80  }
0x22: {  	[sflag:s14] =	ssyncset.done $0x0  }
0x23: {  	[sflag:s14] =	ssyncadd.s32 $0xFFFFFF80  }
0x24: {  	[tilespmem:s20], [sflag:$0x3] =	stream.indirect.gather [hbm4b:s3+s15], $0x40, s18, s15, $0xb8;
	[tilespmem:$0x8400] =	vst v63  }
0x25: {  	_ = 	snop  }
0x26: {  	[tilespmem:s21], [sflag:$0x4] =	stream.indirect.gather [hbm4b:s3+s15], $0x40, s19, s15, $0xb8;
	[tilespmem:$0x8400] =	vst v63  }
0x27: {  	_ =	swait.ge [sflag:s22], $0x2000  }
0x28: {  	[sflag:s22] =	ssyncset.done $0x0  }
0x29: {  	[sflag:s22] =	ssyncadd.s32 $0xFFFFE000  }
0x2a: {  	_ =	swait.ge [sflag:s23], $0x2000  }
0x2b: {  	[sflag:s23] =	ssyncset.done $0x0  }
0x2c: {  	s17 =	simm.s32 $0x240;
	[sflag:s23] =	ssyncadd.s32 $0xFFFFE000  }
0x2d: {  	s2 =	simm.s32 $0x2240;
	v0 =	vld [tilespmem:s17+$0x0]  }
0x2e: {  	v1 =	vld [tilespmem:s2+$0x0]  }
0x2f: {  	v2 =	vld [tilespmem:s17+$0x10]  }
0x30: {  	v3 =	vld [tilespmem:s2+$0x10]  }
0x31: {  	v4 =	vld [tilespmem:s17+$0x20]  }
0x32: {  	v5 =	vld [tilespmem:s2+$0x20]  }
0x33: {  	v6 =	vld [tilespmem:s17+$0x30]  }
0x34: {  	v7 =	vld [tilespmem:s2+$0x30]  }
0x35: {  	v8 =	vld [tilespmem:s2+$0xFFFFFFC0]  }
0x36: {  	v9 =	vld [tilespmem:s17+$0xFFFFFFD0]  }
0x37: {  	s16 =	simm.s32 $0x22C0;
	v11 =	vld [tilespmem:s17+$0xFFFFFFE0]  }
0x38: {  	v14 =	vld [tilespmem:s16+$0x20];
	v0 =	vmul.bf16 v1, v0  }
0x39: {  	v1 =	vld [tilespmem:s17+$0xFFFFFFC0]  }
0x3a: {  	v2 =	vmul.bf16 v3, v2;
	v3 =	vld [tilespmem:s2+$0xFFFFFFD0];
	v10 =	vunpack.i.l.bf16.f32 v0  }
0x3b: {  	v4 =	vmul.bf16 v5, v4;
	v5 =	vld [tilespmem:s2+$0xFFFFFFE0];
	v0 =	vunpack.i.u.bf16.f32 v0;
	v10 =	vadd.f32 $0.0e+00, v10  }
0x3c: {  	v6 =	vmul.bf16 v7, v6;
	v7 =	vld [tilespmem:s2+$0xFFFFFFF0];
	s2 =	simm.s32 $0x2C0;
	v12 =	vunpack.i.l.bf16.f32 v2;
	v0 =	vadd.f32 $0.0e+00, v0  }
0x3d: {  	v13 =	vld [tilespmem:s2+$0x20];
	v2 =	vunpack.i.u.bf16.f32 v2;
	v10 =	vadd.f32 v12, v10  }
0x3e: {  	v12 =	vld [tilespmem:s17+$0xFFFFFFF0];
	v0 =	vadd.f32 v2, v0;
	v2 =	vunpack.i.l.bf16.f32 v4  }
0x3f: {  	v4 =	vunpack.i.u.bf16.f32 v4;
	v1 =	vmul.bf16 v8, v1;
	v8 =	vld [tilespmem:s16+$0x0];
	v2 =	vadd.f32 v2, v10  }
0x40: {  	v10 =	vld [tilespmem:s2+$0x0];
	v0 =	vadd.f32 v4, v0;
	v4 =	vunpack.i.l.bf16.f32 v6  }
0x41: {  	v3 =	vmul.bf16 v3, v9;
	v9 =	vld [tilespmem:s16+$0x10];
	v6 =	vunpack.i.u.bf16.f32 v6;
	v2 =	vadd.f32 v4, v2  }
0x42: {  	s0 =	simm.s32 $0x2340;
	v4 =	vld [tilespmem:s2+$0x10];
	v0 =	vadd.f32 v6, v0;
	v6 =	vunpack.i.l.bf16.f32 v1;
	v1 =	vunpack.i.u.bf16.f32 v1  }
0x43: {  	v17 =	vld [tilespmem:s0+$0x10];
	v5 =	vmul.bf16 v5, v11;
	v6 =	vadd.f32 $0.0e+00, v6;
	v1 =	vadd.f32 $0.0e+00, v1  }
0x44: {  	v11 =	vld [tilespmem:s16+$0xFFFFFFC0];
	v0 =	vadd.f32 v2, v0;
	v2 =	vunpack.i.u.bf16.f32 v3;
	v3 =	vunpack.i.l.bf16.f32 v3  }
0x45: {  	v13 =	vmul.bf16 v14, v13;
	v8 =	vmul.bf16 v8, v10;
	v10 =	vld [tilespmem:s2+$0x30];
	v3 =	vadd.f32 v3, v6  }
0x46: {  	v1 =	vadd.f32 v2, v1;
	v2 =	vmul.bf16 v7, v12;
	v6 =	vld [tilespmem:s16+$0x30];
	v7 =	vunpack.i.u.bf16.f32 v5  }
0x47: {  	v12 =	vunpack.i.l.bf16.f32 v8;
	v4 =	vmul.bf16 v9, v4;
	v8 =	vunpack.i.u.bf16.f32 v8;
	v9 =	vld [tilespmem:s2+$0xFFFFFFC0]  }
0x48: {  	v15 =	vld [tilespmem:s2+$0xFFFFFFD0];
	v5 =	vunpack.i.l.bf16.f32 v5;
	v12 =	vadd.f32 $0.0e+00, v12;
	v8 =	vadd.f32 $0.0e+00, v8  }
0x49: {  	v3 =	vadd.f32 v5, v3;
	v5 =	vld [tilespmem:s16+$0xFFFFFFD0];
	v16 =	vunpack.i.l.bf16.f32 v4;
	v4 =	vunpack.i.u.bf16.f32 v4  }
0x4a: {  	v14 =	vunpack.i.l.bf16.f32 v13;
	v12 =	vadd.f32 v16, v12;
	v4 =	vadd.f32 v4, v8;
	v8 =	vld [tilespmem:s2+$0xFFFFFFE0]  }
0x4b: {  	v1 =	vadd.f32 v7, v1;
	v7 =	vunpack.i.u.bf16.f32 v13;
	v6 =	vmul.bf16 v6, v10;
	v10 =	vld [tilespmem:s16+$0xFFFFFFE0]  }
0x4c: {  	v12 =	vadd.f32 v14, v12;
	v4 =	vadd.f32 v7, v4;
	v7 =	vmul.bf16 v11, v9;
	v9 =	vld [tilespmem:s2+$0xFFFFFFF0]  }
0x4d: {  	v11 =	vunpack.i.l.bf16.f32 v6;
	v14 =	vld [tilespmem:s16+$0xFFFFFFF0]  }
0x4e: {  	v6 =	vunpack.i.u.bf16.f32 v6;
	s2 =	simm.s32 $0x340;
	v5 =	vmul.bf16 v5, v15;
	v15 =	vld [tilespmem:s0+$0x0];
	v11 =	vadd.f32 v11, v12  }
0x4f: {  	v4 =	vadd.f32 v6, v4;
	v6 =	vld [tilespmem:s2+$0x0];
	v12 =	vunpack.i.l.bf16.f32 v7;
	v7 =	vunpack.i.u.bf16.f32 v7  }
0x50: {  	v13 =	vunpack.i.u.bf16.f32 v2;
	v2 =	vunpack.i.l.bf16.f32 v2;
	v59 =	vld [tilespmem:s2+$0x20];
	v7 =	vadd.f32 $0.0e+00, v7  }
0x51: {  	v58 =	vunpack.i.l.bf16.f32 v5;
	v5 =	vunpack.i.u.bf16.f32 v5;
	v4 =	vadd.f32 v11, v4;
	v11 =	vld [tilespmem:s2+$0x10]  }
0x52: {  	(xrf2) =	vadd.scan.msk.f32 $0xffff, v0;
	v12 =	vadd.f32 $0.0e+00, v12;
	v8 =	vmul.bf16 v10, v8;
	v0 =	vadd.f32 v5, v7;
	v7 =	vld [tilespmem:s0+$0x20]  }
0x53: {  	v3 =	vadd.f32 v2, v3;
	v5 =	vadd.f32 v13, v1  }
0x54: {  	v12 =	vadd.f32 v58, v12;
	v1 =	vunpack.i.l.bf16.f32 v8;
	v6 =	vmul.bf16 v15, v6  }
0x55: {  	v8 =	vunpack.i.u.bf16.f32 v8;
	(xrf2) =	vadd.scan.msk.f32 $0xffff, v4;
	v4 =	vmul.bf16 v14, v9;
	v13 =	vadd.f32 v3, v5  }
0x56: {  	v5 =	vunpack.i.u.bf16.f32 v6;
	v6 =	vunpack.i.l.bf16.f32 v6;
	v11 =	vmul.bf16 v17, v11  }
0x57: {  	v6 =	vadd.f32 $0.0e+00, v6;
	v5 =	vadd.f32 $0.0e+00, v5;
	v7 =	vmul.bf16 v7, v59  }
0x58: {  	v9 =	vld [tilespmem:s2+$0x30];
	v0 =	vadd.f32 v8, v0;
	v15 =	vunpack.i.u.bf16.f32 v11;
	v11 =	vunpack.i.l.bf16.f32 v11  }
0x59: {  	v8 =	vld [tilespmem:s0+$0x30];
	v6 =	vadd.f32 v11, v6;
	v11 =	vadd.f32 v15, v5;
	v15 =	vunpack.i.u.bf16.f32 v7  }
0x5a: {  	v3 =	vld [tilespmem:s0+$0xFFFFFFC0]  }
0x5b: {  	v2 =	vadd.f32 v1, v12;
	v12 =	vld [tilespmem:s2+$0xFFFFFFC0]  }
0x5c: {  	s16 =	simm.s32 $0x1;
	v11 =	vadd.f32 v15, v11;
	v15, _, _ =	vpop (xrf2);
	(xrf2) =	vadd.scan.msk.f32 $0xffff, v13  }
0x5d: {  	v61 =	vld [tilespmem:s0+$0xFFFFFFD0];
	v10 =	vmov s16  }
0x5e: {  	v19 =	vmov s1;
	s17 =	simm.s32 $0x3;
	v14 =	vld [tilespmem:s2+$0xFFFFFFD0]  }
0x5f: {  	v60 =	vmov s17;
	v5 =	vld [tilespmem:s2+$0xFFFFFFE0];
	v18 =	vunpack.i.l.bf16.f32 v7;
	v9 =	vmul.bf16 v8, v9  }
0x60: {  	v1 =	vunpack.i.u.bf16.f32 v4;
	v7 =	vld [tilespmem:s0+$0xFFFFFFE0];
	v62 =	vmul.bf16 v3, v12;
	v6 =	vadd.f32 v18, v6  }
0x61: {  	v8 =	vld [tilespmem:s2+$0xFFFFFFF0];
	v12 =	vand.u32 $0xFFFFFFFE, v19;
	v3 =	vunpack.i.u.bf16.f32 v9;
	v9 =	vunpack.i.l.bf16.f32 v9  }
0x62: {  	s2 =	simm.s32 $0x23C0;
	[tilespmem:v10+s24+$0x0] =	vst.idx.msk vm0, v15;
	v6 =	vadd.f32 v9, v6;
	v15 =	vadd.f32 v3, v11;
	v9 =	vld [tilespmem:s0+$0xFFFFFFF0];
	v3 =	vbroadcast v12, $0x0  }
0x63: {  	s30 =	simm.s32 $0x2;
	v4 =	vunpack.i.l.bf16.f32 v4;
	v63 =	vunpack.i.l.bf16.f32 v62;
	v13 =	vmul.bf16 v61, v14;
	v10, _, _ =	vpop (xrf2);
	s0 =	simm.s32 $0x3C0;
	v11 =	vld [tilespmem:s2+$0x0]  }
0x64: {  	s31 =	simm.s32 $0x4;
	s29 =	simm.s32 $0x6;
	s16 =	simm.s32 $0x8;
	v14 =	vadd.f32 $0.0e+00, v63;
	v12 =	vunpack.i.u.bf16.f32 v62;
	[tilespmem:v60+s24+$0x0] =	vst.idx.msk vm0, v10;
	v10 =	vld [tilespmem:s0+$0x0];
	v6 =	vadd.f32 v6, v15  }
.LBB2_2:
0x65: {  	p0 =	slt.u32 s16, $0x7E;
	v15 =	vld [tilespmem:s0+$0x10];
	v12 =	vadd.f32 $0.0e+00, v12;
	v16 =	vunpack.i.u.bf16.f32 v13;
	v13 =	vunpack.i.l.bf16.f32 v13  }
0x66: {  	v5 =	vmul.bf16 v7, v5;
	v17 =	vld [tilespmem:s2+$0x10];
	v13 =	vadd.f32 v13, v14;
	(xrf2) =	vadd.scan.msk.f32 $0xffff, v6;
	v6 =	vadd.f32 v4, v2;
	v2, _, _ =	vpop (xrf2)  }
0x67: {  	v7 =	vld [tilespmem:s0+$0x20];
	v4 =	vadd.f32 v16, v12;
	v8 =	vmul.bf16 v9, v8;
	v9 =	vadd.f32 v1, v0  }
0x68: {  	v0 =	vunpack.i.u.bf16.f32 v5;
	v1 =	vunpack.i.l.bf16.f32 v5;
	v12 =	vld [tilespmem:s2+$0x20];
	[tilespmem:v3+s24+$0x0] =	vst.idx.msk vm0, v2  }
0x69: {  	v2 =	vadd.f32 v1, v13;
	v3 =	vmul.bf16 v11, v10;
	v10 =	vld [tilespmem:s0+$0x30];
	v0 =	vadd.f32 v0, v4  }
0x6a: {  	v1 =	vunpack.i.u.bf16.f32 v8;
	v4 =	vunpack.i.l.bf16.f32 v8;
	v5 =	vadd.f32 v6, v9;
	v11 =	vld [tilespmem:s2+$0x30]  }
0x6b: {  	s17 =	sadd.s32 $0x1, s31;
	v6 =	vld [tilespmem:s2+$0xFFFFFFC0];
	v8 =	vunpack.i.u.bf16.f32 v3;
	v3 =	vunpack.i.l.bf16.f32 v3;
	v9 =	vmul.bf16 v17, v15  }
0x6c: {  	v14 =	vmov s17;
	v13 =	vld [tilespmem:s0+$0xFFFFFFC0];
	v3 =	vadd.f32 $0.0e+00, v3;
	v8 =	vadd.f32 $0.0e+00, v8;
	(xrf2) =	vadd.scan.msk.f32 $0xffff, v5  }
0x6d: {  	v15 =	vld [tilespmem:s0+$0xFFFFFFD0];
	v5 =	vunpack.i.u.bf16.f32 v9;
	v9 =	vunpack.i.l.bf16.f32 v9;
	v7 =	vmul.bf16 v12, v7  }
0x6e: {  	v16 =	vld [tilespmem:s2+$0xFFFFFFD0];
	v3 =	vadd.f32 v9, v3;
	v8 =	vadd.f32 v5, v8;
	v9 =	vmov s30;
	s30 =	smov.u32 s31;
	s31 =	smov.u32 s29;
	s29 =	smov.u32 s16  }
0x6f: {  	v5 =	vld [tilespmem:s0+$0xFFFFFFE0];
	v18 =	vunpack.i.u.bf16.f32 v7;
	v17 =	vunpack.i.l.bf16.f32 v7;
	v10 =	vmul.bf16 v11, v10  }
.Ltmp0:
0x70: {  	v7 =	vld [tilespmem:s2+$0xFFFFFFE0];
	v3 =	vadd.f32 v17, v3;
	v11 =	vadd.f32 v18, v8;
	v12, _, _ =	vpop (xrf2);
	v17 =	vand.u32 $0xFFFFFFFE, v9;
	(pc) =	sbr.rel @p0 .LBB2_2-.Ltmp0, $4  }
0x71: {  	v6 =	vmul.bf16 v6, v13;
	v8 =	vld [tilespmem:s0+$0xFFFFFFF0];
	v13 =	vunpack.i.u.bf16.f32 v10;
	v10 =	vunpack.i.l.bf16.f32 v10;
	[tilespmem:v14+s24+$0x0] =	vst.idx.msk vm0, v12  }
0x72: {  	s0 =	sadd.s32 $0x80, s0;
	v9 =	vld [tilespmem:s2+$0xFFFFFFF0];
	v18 =	vadd.f32 v10, v3;
	v19 =	vadd.f32 v13, v11;
	v3 =	vbroadcast v17, $0x0  }
0x73: {  	s2 =	sadd.s32 $0x80, s2;
	v10 =	vld [tilespmem:s0+$0x0];
	v12 =	vunpack.i.u.bf16.f32 v6;
	v6 =	vunpack.i.l.bf16.f32 v6;
	v13 =	vmul.bf16 v16, v15  }
0x74: {  	s16 =	sadd.s32 $0x2, s16;
	v11 =	vld [tilespmem:s2+$0x0];
	v14 =	vadd.f32 $0.0e+00, v6;
	v6 =	vadd.f32 v18, v19  }
0x75: {  	v15 =	vld [tilespmem:s0+$0x10]  }
0x76: {  	v16 =	vld [tilespmem:s2+$0x10]  }
0x77: {  	v18 =	vld [tilespmem:s0+$0x20]  }
0x78: {  	v17 =	vunpack.i.l.bf16.f32 v13;
	v12 =	vadd.f32 $0.0e+00, v12;
	v55 =	vld [tilespmem:s2+$0x20];
	v5 =	vmul.bf16 v7, v5  }
0x79: {  	v13 =	vunpack.i.u.bf16.f32 v13;
	v2 =	vadd.f32 v4, v2;
	v7 =	vld [tilespmem:s0+$0x30];
	v0 =	vadd.f32 v1, v0  }
0x7a: {  	v1 =	vld [tilespmem:s2+$0x30];
	v14 =	vadd.f32 v17, v14;
	v8 =	vmul.bf16 v9, v8;
	v9 =	vunpack.i.u.bf16.f32 v5  }
0x7b: {  	v56 =	vld [tilespmem:s0+$0xFFFFFFD0];
	v5 =	vunpack.i.l.bf16.f32 v5;
	v0 =	vadd.f32 v2, v0;
	v4 =	vmul.bf16 v11, v10  }
0x7c: {  	v5 =	vadd.f32 v5, v14;
	v14 =	vld [tilespmem:s2+$0xFFFFFFD0];
	v10 =	vadd.f32 v13, v12  }
0x7d: {  	v11 =	vld [tilespmem:s2+$0xFFFFFFC0];
	v13 =	vmul.bf16 v16, v15;
	v12 =	vunpack.i.l.bf16.f32 v4;
	v4 =	vunpack.i.u.bf16.f32 v4  }
0x7e: {  	v15 =	vld [tilespmem:s0+$0xFFFFFFC0];
	v12 =	vadd.f32 $0.0e+00, v12;
	v4 =	vadd.f32 $0.0e+00, v4  }
0x7f: {  	v17 =	vmul.bf16 v55, v18;
	v57 =	vunpack.i.l.bf16.f32 v13;
	v13 =	vunpack.i.u.bf16.f32 v13  }
0x80: {  	v1 =	vmul.bf16 v1, v7;
	v12 =	vadd.f32 v57, v12;
	v4 =	vadd.f32 v13, v4  }
0x81: {  	v7 =	vadd.f32 v9, v10;
	v9 =	vld [tilespmem:s0+$0xFFFFFFE0];
	v10 =	vunpack.i.u.bf16.f32 v17;
	v13 =	vunpack.i.l.bf16.f32 v17  }
0x82: {  	v14 =	vmul.bf16 v14, v56;
	v12 =	vadd.f32 v13, v12;
	v13 =	vld [tilespmem:s2+$0xFFFFFFE0];
	v4 =	vadd.f32 v10, v4  }
0x83: {  	v58 =	vld [tilespmem:s0+$0xFFFFFFF0];
	v10 =	vmul.bf16 v11, v15;
	v11 =	vunpack.i.l.bf16.f32 v1;
	v15 =	vunpack.i.l.bf16.f32 v8  }
0x84: {  	v1 =	vunpack.i.u.bf16.f32 v1;
	v5 =	vadd.f32 v15, v5;
	v11 =	vadd.f32 v11, v12;
	v12 =	vld [tilespmem:s2+$0xFFFFFFF0]  }
0x85: {  	v1 =	vadd.f32 v1, v4;
	v4 =	vunpack.i.l.bf16.f32 v10;
	v2 =	vunpack.i.u.bf16.f32 v10  }
0x86: {  	v10 =	vunpack.i.l.bf16.f32 v14;
	v4 =	vadd.f32 $0.0e+00, v4;
	v2 =	vadd.f32 $0.0e+00, v2  }
0x87: {  	v1 =	vadd.f32 v11, v1;
	v11 =	vunpack.i.u.bf16.f32 v14;
	v9 =	vmul.bf16 v13, v9  }
0x88: {  	v4 =	vadd.f32 v10, v4;
	v2 =	vadd.f32 v11, v2  }
0x89: {  	v10 =	vmul.bf16 v12, v58;
	v11 =	vunpack.i.u.bf16.f32 v9;
	v9 =	vunpack.i.l.bf16.f32 v9  }
0x8a: {  	v8 =	vunpack.i.u.bf16.f32 v8;
	v4 =	vadd.f32 v9, v4;
	v2 =	vadd.f32 v11, v2  }
0x8b: {  	(xrf2) =	vadd.scan.msk.f32 $0xffff, v6;
	v7 =	vadd.f32 v8, v7;
	v8 =	vunpack.i.u.bf16.f32 v10;
	v9 =	vunpack.i.l.bf16.f32 v10  }
0x8c: {  	(xrf2) =	vadd.scan.msk.f32 $0xffff, v0;
	v4 =	vadd.f32 v9, v4;
	v2 =	vadd.f32 v8, v2  }
0x8d: {  	v0 =	vadd.f32 v5, v7  }
0x8e: {  	(xrf2) =	vadd.scan.msk.f32 $0xffff, v1;
	v1 =	vadd.f32 v4, v2  }
0x8f: {  	(xrf2) =	vadd.scan.msk.f32 $0xffff, v0;
	v0 =	vmov s30  }
0x90: {  	v0 =	vand.u32 $0xFFFFFFFE, v0;
	(xrf2) =	vadd.scan.msk.f32 $0xffff, v1  }
0x91: {  	v0 =	vbroadcast v0, $0x0  }
0x92: {  	s2 =	sadd.s32 $0x1, s31;
	v2 =	vmov s31  }
0x93: {  	s16 =	sadd.s32 $0x1, s29;
	v4 =	vmov s29;
	v2 =	vand.u32 $0xFFFFFFFE, v2;
	v1 =	vmov s2  }
0x94: {  	v6, _, _ =	vpop (xrf2);
	v5 =	vmov s16;
	v4 =	vand.u32 $0xFFFFFFFE, v4;
	v2 =	vbroadcast v2, $0x0  }
0x95: {  	v7, _, _ =	vpop (xrf2);
	v4 =	vbroadcast v4, $0x0  }
0x96: {  	[tilespmem:v3+s24+$0x0] =	vst.idx.msk vm0, v6;
	v3, _, _ =	vpop (xrf2)  }
0x97: {  	[tilespmem:v0+s24+$0x0] =	vst.idx.msk vm0, v3  }
0x98: {  	[tilespmem:v1+s24+$0x0] =	vst.idx.msk vm0, v7;
	v1, _, _ =	vpop (xrf2)  }
0x99: {  	[tilespmem:v5+s24+$0x0] =	vst.idx.msk vm0, v1;
	v0, _, _ =	vpop (xrf2)  }
0x9a: {  	[tilespmem:v2+s24+$0x0] =	vst.idx.msk vm0, v0;
	v0, _, _ =	vpop (xrf2)  }
0x9b: {  	[tilespmem:v4+s24+$0x0] =	vst.idx.msk vm0, v0  }
0x9c: {  	[tilespmem:s1], [sflag:$0x5] =	stream.linear.gather [hbm4b:s8+s1], $0x80, $0x38;
	[tilespmem:$0x8400] =	vst v63  }
0x9d: {  	_ =	swait.ge [sflag:s14], $0x80  }
0x9e: {  	[sflag:s14] =	ssyncset.done $0x0  }
0x9f: {  	[sflag:s14] =	ssyncadd.s32 $0xFFFFFF80  }
0xa0: {  	[tilespmem:s15], [sflag:$0x5] =	stream.linear.gather [hbm4b:s9+s1], $0x80, $0x38;
	[tilespmem:$0x8400] =	vst v63  }
0xa1: {  	_ =	swait.ge [sflag:s14], $0x80  }
0xa2: {  	[sflag:s14] =	ssyncset.done $0x0  }
0xa3: {  	s17 =	simm.s32 $0x200;
	[sflag:s14] =	ssyncadd.s32 $0xFFFFFF80  }
0xa4: {  	[tilespmem:s17], [sflag:$0x1] =	stream.indirect.gather [hbm4b:s3+s15], $0x40, s1, s15, $0xb8;
	[tilespmem:$0x8400] =	vst v63  }
0xa5: {  	s31 =	simm.s32 $0x2200  }
0xa6: {  	[tilespmem:s31], [sflag:$0x2] =	stream.indirect.gather [hbm4b:s3+s15], $0x40, s15, s15, $0xb8;
	[tilespmem:$0x8400] =	vst v63  }
0xa7: {  	_ =	swait.ge [sflag:s25], $0x2000  }
0xa8: {  	[sflag:s25] =	ssyncset.done $0x0  }
0xa9: {  	[sflag:s25] =	ssyncadd.s32 $0xFFFFE000  }
0xaa: {  	_ =	swait.ge [sflag:s26], $0x2000  }
0xab: {  	[sflag:s26] =	ssyncset.done $0x0  }
0xac: {  	s2 =	simm.s32 $0x4240;
	[sflag:s26] =	ssyncadd.s32 $0xFFFFE000  }
0xad: {  	s16 =	simm.s32 $0x6240;
	v0 =	vld [tilespmem:s2+$0x0]  }
0xae: {  	v1 =	vld [tilespmem:s16+$0x0]  }
0xaf: {  	v2 =	vld [tilespmem:s2+$0x10]  }
0xb0: {  	v3 =	vld [tilespmem:s16+$0x10]  }
0xb1: {  	v4 =	vld [tilespmem:s2+$0x20]  }
0xb2: {  	v5 =	vld [tilespmem:s16+$0x20]  }
0xb3: {  	v6 =	vld [tilespmem:s2+$0x30]  }
0xb4: {  	v7 =	vld [tilespmem:s16+$0x30]  }
0xb5: {  	v8 =	vld [tilespmem:s16+$0xFFFFFFC0]  }
0xb6: {  	v9 =	vld [tilespmem:s2+$0xFFFFFFD0];
	v0 =	vmul.bf16 v1, v0  }
0xb7: {  	v11 =	vld [tilespmem:s2+$0xFFFFFFE0]  }
0xb8: {  	v1 =	vld [tilespmem:s2+$0xFFFFFFC0];
	v2 =	vmul.bf16 v3, v2;
	v10 =	vunpack.i.u.bf16.f32 v0;
	v0 =	vunpack.i.l.bf16.f32 v0  }
0xb9: {  	v3 =	vld [tilespmem:s16+$0xFFFFFFD0];
	v4 =	vmul.bf16 v5, v4;
	v0 =	vadd.f32 $0.0e+00, v0  }
0xba: {  	v5 =	vld [tilespmem:s16+$0xFFFFFFE0];
	v12 =	vunpack.i.u.bf16.f32 v2;
	v2 =	vunpack.i.l.bf16.f32 v2;
	v10 =	vadd.f32 $0.0e+00, v10  }
0xbb: {  	v6 =	vmul.bf16 v7, v6;
	v7 =	vld [tilespmem:s16+$0xFFFFFFF0];
	v0 =	vadd.f32 v2, v0  }
0xbc: {  	s17 =	simm.s32 $0x42C0;
	v2 =	vadd.f32 v12, v10;
	v10 =	vld [tilespmem:s2+$0xFFFFFFF0];
	v12 =	vunpack.i.u.bf16.f32 v4;
	v4 =	vunpack.i.l.bf16.f32 v4  }
0xbd: {  	s31 =	simm.s32 $0x62C0;
	v0 =	vadd.f32 v4, v0;
	v4 =	vld [tilespmem:s17+$0x0]  }
0xbe: {  	v1 =	vmul.bf16 v8, v1;
	v2 =	vadd.f32 v12, v2;
	v12 =	vld [tilespmem:s31+$0x0]  }
0xbf: {  	v8 =	vunpack.i.u.bf16.f32 v6;
	v6 =	vunpack.i.l.bf16.f32 v6;
	v3 =	vmul.bf16 v3, v9;
	v9 =	vld [tilespmem:s31+$0x10]  }
0xc0: {  	s29 =	simm.s32 $0x6340;
	v0 =	vadd.f32 v6, v0;
	v2 =	vadd.f32 v8, v2;
	v6 =	vld [tilespmem:s17+$0x10];
	v8 =	vunpack.i.l.bf16.f32 v1  }
0xc1: {  	v59 =	vld [tilespmem:s29+$0x0];
	v5 =	vmul.bf16 v5, v11;
	v1 =	vunpack.i.u.bf16.f32 v1;
	v8 =	vadd.f32 $0.0e+00, v8  }
0xc2: {  	v11 =	vld [tilespmem:s31+$0x20];
	v13 =	vunpack.i.l.bf16.f32 v3;
	v3 =	vunpack.i.u.bf16.f32 v3;
	v1 =	vadd.f32 $0.0e+00, v1  }
0xc3: {  	v0 =	vadd.f32 v0, v2;
	v2 =	vld [tilespmem:s17+$0x20];
	v8 =	vadd.f32 v13, v8;
	v4 =	vmul.bf16 v12, v4  }
0xc4: {  	v12 =	vld [tilespmem:s17+$0x30];
	v1 =	vadd.f32 v3, v1;
	v3 =	vmul.bf16 v7, v10;
	v7 =	vunpack.i.u.bf16.f32 v5  }
0xc5: {  	v10 =	vld [tilespmem:s31+$0x30];
	v5 =	vunpack.i.l.bf16.f32 v5;
	v14 =	vunpack.i.l.bf16.f32 v4;
	v6 =	vmul.bf16 v9, v6  }
0xc6: {  	v13 =	vld [tilespmem:s31+$0xFFFFFFC0];
	v5 =	vadd.f32 v5, v8;
	v4 =	vunpack.i.u.bf16.f32 v4;
	v1 =	vadd.f32 v7, v1  }
0xc7: {  	v8 =	vld [tilespmem:s17+$0xFFFFFFC0];
	v9 =	vadd.f32 $0.0e+00, v14;
	v4 =	vadd.f32 $0.0e+00, v4  }
0xc8: {  	v7 =	vld [tilespmem:s31+$0xFFFFFFD0];
	v15 =	vunpack.i.l.bf16.f32 v6;
	v2 =	vmul.bf16 v11, v2;
	v6 =	vunpack.i.u.bf16.f32 v6  }
0xc9: {  	v14 =	vld [tilespmem:s17+$0xFFFFFFD0];
	v9 =	vadd.f32 v15, v9;
	v4 =	vadd.f32 v6, v4  }
0xca: {  	v60 =	vld [tilespmem:s29+$0x10];
	v10 =	vmul.bf16 v10, v12;
	v11 =	vunpack.i.l.bf16.f32 v2;
	v2 =	vunpack.i.u.bf16.f32 v2  }
0xcb: {  	v6 =	vld [tilespmem:s17+$0xFFFFFFE0];
	v9 =	vadd.f32 v11, v9;
	v2 =	vadd.f32 v2, v4  }
0xcc: {  	v15 =	vld [tilespmem:s31+$0xFFFFFFE0];
	v4 =	vmul.bf16 v13, v8;
	v11 =	vunpack.i.l.bf16.f32 v10;
	v10 =	vunpack.i.u.bf16.f32 v10  }
0xcd: {  	s2 =	simm.s32 $0x4340;
	v12 =	vunpack.i.u.bf16.f32 v3;
	v8 =	vld [tilespmem:s17+$0xFFFFFFF0];
	v9 =	vadd.f32 v11, v9;
	v2 =	vadd.f32 v10, v2  }
0xce: {  	v3 =	vunpack.i.l.bf16.f32 v3;
	v7 =	vmul.bf16 v7, v14;
	v10 =	vld [tilespmem:s2+$0x0];
	v11 =	vunpack.i.l.bf16.f32 v4  }
0xcf: {  	(xrf2) =	vadd.scan.msk.f32 $0xffff, v0;
	v4 =	vunpack.i.u.bf16.f32 v4;
	v11 =	vadd.f32 $0.0e+00, v11;
	v0 =	vadd.f32 v9, v2;
	v9 =	vld [tilespmem:s2+$0x10]  }
0xd0: {  	v5 =	vadd.f32 v3, v5;
	v13 =	vld [tilespmem:s31+$0xFFFFFFF0];
	v2 =	vadd.f32 $0.0e+00, v4;
	v4 =	vunpack.i.l.bf16.f32 v7  }
0xd1: {  	v6 =	vmul.bf16 v15, v6;
	v7 =	vunpack.i.u.bf16.f32 v7;
	v4 =	vadd.f32 v4, v11  }
0xd2: {  	(xrf2) =	vadd.scan.msk.f32 $0xffff, v0;
	v0 =	vadd.f32 v7, v2;
	v7 =	vadd.f32 v12, v1  }
0xd3: {  	v1 =	vunpack.i.u.bf16.f32 v6;
	v2 =	vunpack.i.l.bf16.f32 v6;
	v6 =	vmul.bf16 v59, v10  }
0xd4: {  	v11 =	vld [tilespmem:s2+$0x20];
	v5 =	vadd.f32 v5, v7;
	v7 =	vmul.bf16 v60, v9  }
0xd5: {  	v3 =	vmul.bf16 v13, v8;
	v8 =	vld [tilespmem:s29+$0x20];
	v2 =	vadd.f32 v2, v4;
	v4 =	vunpack.i.u.bf16.f32 v6  }
0xd6: {  	v12 =	vld [tilespmem:s29+$0x30];
	v6 =	vunpack.i.l.bf16.f32 v6;
	v17 =	vunpack.i.u.bf16.f32 v7;
	v7 =	vunpack.i.l.bf16.f32 v7  }
0xd7: {  	s16 =	simm.s32 $0x81;
	v10 =	vld [tilespmem:s2+$0x30];
	v15 =	vadd.f32 $0.0e+00, v6  }
0xd8: {  	s31 =	simm.s32 $0x80;
	v14 =	vmov s16;
	v13 =	vld [tilespmem:s29+$0xFFFFFFC0]  }
0xd9: {  	s17 =	simm.s32 $0x83;
	v62 =	vmov s31;
	v9 =	vld [tilespmem:s2+$0xFFFFFFC0];
	v4 =	vadd.f32 $0.0e+00, v4;
	v15 =	vadd.f32 v7, v15;
	v7, _, _ =	vpop (xrf2);
	(xrf2) =	vadd.scan.msk.f32 $0xffff, v5  }
0xda: {  	v61 =	vmov s17;
	v63 =	vand.u32 $0xFFFFFFFE, v62;
	v6 =	vld [tilespmem:s2+$0xFFFFFFD0];
	v11 =	vmul.bf16 v8, v11  }
0xdb: {  	v0 =	vadd.f32 v1, v0;
	v1 =	vunpack.i.u.bf16.f32 v3;
	v8 =	vld [tilespmem:s29+$0xFFFFFFD0];
	v17 =	vadd.f32 v17, v4  }
0xdc: {  	v4 =	vld [tilespmem:s2+$0xFFFFFFE0];
	v10 =	vmul.bf16 v12, v10;
	v12 =	vunpack.i.u.bf16.f32 v11;
	v11 =	vunpack.i.l.bf16.f32 v11  }
0xdd: {  	v3 =	vunpack.i.l.bf16.f32 v3;
	[tilespmem:v14+s24+$0x0] =	vst.idx.msk vm0, v7;
	v7 =	vld [tilespmem:s29+$0xFFFFFFE0];
	v14 =	vadd.f32 v11, v15;
	v15 =	vadd.f32 v12, v17  }
0xde: {  	s0 =	simm.s32 $0x0;
	v11 =	vmul.bf16 v13, v9;
	v9 =	vld [tilespmem:s2+$0xFFFFFFF0];
	v13 =	vunpack.i.u.bf16.f32 v10;
	v12 =	vunpack.i.l.bf16.f32 v10;
	v5, _, _ =	vpop (xrf2)  }
0xdf: {  	s30 =	simm.s32 $0x4;
	s16 =	simm.s32 $0x43C0;
	s2 =	simm.s32 $0x2;
	v10 =	vld [tilespmem:s29+$0xFFFFFFF0];
	[tilespmem:v61+s24+$0x0] =	vst.idx.msk vm0, v5;
	v12 =	vadd.f32 v12, v14;
	v13 =	vadd.f32 v13, v15;
	v5 =	vbroadcast v63, $0x0  }
.LBB2_4:
0xe0: {  	v14 =	vld [tilespmem:s16+$0x0];
	v15 =	vunpack.i.u.bf16.f32 v11;
	v11 =	vunpack.i.l.bf16.f32 v11;
	v6 =	vmul.bf16 v8, v6;
	s29 =	sadd.s32 $0x80, s29;
	s17 =	smov.u32 s30  }
0xe1: {  	s30 =	sadd.s32 $0x2, s30;
	v8 =	vld [tilespmem:s29+$0x0];
	v11 =	vadd.f32 $0.0e+00, v11;
	v12 =	vadd.f32 v12, v13  }
0xe2: {  	p0 =	slt.u32 s30, $0x7E;
	v15 =	vadd.f32 $0.0e+00, v15;
	v13 =	vld [tilespmem:s16+$0x10];
	v16 =	vunpack.i.u.bf16.f32 v6;
	v6 =	vunpack.i.l.bf16.f32 v6  }
0xe3: {  	v4 =	vmul.bf16 v7, v4;
	v7 =	vadd.f32 v3, v2;
	v17 =	vld [tilespmem:s29+$0x10];
	v6 =	vadd.f32 v6, v11;
	(xrf2) =	vadd.scan.msk.f32 $0xffff, v12;
	v2, _, _ =	vpop (xrf2)  }
0xe4: {  	v3 =	vadd.f32 v16, v15;
	v11 =	vld [tilespmem:s16+$0x20];
	v9 =	vmul.bf16 v10, v9;
	v10 =	vadd.f32 v1, v0  }
0xe5: {  	v0 =	vunpack.i.u.bf16.f32 v4;
	v1 =	vunpack.i.l.bf16.f32 v4;
	v12 =	vld [tilespmem:s29+$0x20];
	[tilespmem:v5+s24+$0x0] =	vst.idx.msk vm0, v2  }
0xe6: {  	v2 =	vadd.f32 v1, v6;
	v0 =	vadd.f32 v0, v3;
	v4 =	vmul.bf16 v8, v14;
	v5 =	vld [tilespmem:s16+$0x30]  }
0xe7: {  	v1 =	vunpack.i.u.bf16.f32 v9;
	v3 =	vunpack.i.l.bf16.f32 v9;
	v6 =	vadd.f32 v7, v10;
	v14 =	vld [tilespmem:s29+$0x30]  }
0xe8: {  	s31 =	sadd.s32 $0x83, s2;
	v9 =	vld [tilespmem:s29+$0xFFFFFFC0];
	v7 =	vunpack.i.u.bf16.f32 v4;
	v4 =	vunpack.i.l.bf16.f32 v4;
	v8 =	vmul.bf16 v17, v13  }
0xe9: {  	v13 =	vmov s31;
	v10 =	vld [tilespmem:s16+$0xFFFFFFC0];
	v4 =	vadd.f32 $0.0e+00, v4;
	v7 =	vadd.f32 $0.0e+00, v7;
	(xrf2) =	vadd.scan.msk.f32 $0xffff, v6  }
0xea: {  	s31 =	sadd.s32 $0x82, s0;
	s0 =	smov.u32 s2;
	s2 =	smov.u32 s17;
	v6 =	vld [tilespmem:s16+$0xFFFFFFD0];
	v15 =	vunpack.i.u.bf16.f32 v8;
	v16 =	vunpack.i.l.bf16.f32 v8;
	v11 =	vmul.bf16 v12, v11  }
.Ltmp1:
0xeb: {  	v8 =	vld [tilespmem:s29+$0xFFFFFFD0];
	v12 =	vadd.f32 v16, v4;
	v18 =	vadd.f32 v15, v7;
	v16 =	vmov s31;
	(pc) =	sbr.rel @p0 .LBB2_4-.Ltmp1, $4  }
0xec: {  	v4 =	vld [tilespmem:s16+$0xFFFFFFE0];
	v17 =	vunpack.i.u.bf16.f32 v11;
	v11 =	vunpack.i.l.bf16.f32 v11;
	v5 =	vmul.bf16 v14, v5  }
0xed: {  	v16 =	vand.u32 $0xFFFFFFFE, v16;
	v7 =	vld [tilespmem:s29+$0xFFFFFFE0];
	v12 =	vadd.f32 v11, v12;
	v14 =	vadd.f32 v17, v18;
	v15, _, _ =	vpop (xrf2)  }
0xee: {  	v11 =	vmul.bf16 v9, v10;
	v9 =	vld [tilespmem:s16+$0xFFFFFFF0];
	v17 =	vunpack.i.u.bf16.f32 v5;
	v5 =	vunpack.i.l.bf16.f32 v5;
	[tilespmem:v13+s24+$0x0] =	vst.idx.msk vm0, v15  }
0xef: {  	s16 =	sadd.s32 $0x80, s16;
	v10 =	vld [tilespmem:s29+$0xFFFFFFF0];
	v12 =	vadd.f32 v5, v12;
	v13 =	vadd.f32 v17, v14;
	v5 =	vbroadcast v16, $0x0  }
0xf0: {  	v14 =	vunpack.i.l.bf16.f32 v11;
	v6 =	vmul.bf16 v8, v6  }
0xf1: {  	v8 =	vunpack.i.u.bf16.f32 v11;
	v2 =	vadd.f32 v3, v2;
	v11 =	vadd.f32 $0.0e+00, v14  }
0xf2: {  	v12 =	vadd.f32 v12, v13;
	v8 =	vadd.f32 $0.0e+00, v8  }
0xf3: {  	v13 =	vunpack.i.l.bf16.f32 v6;
	v6 =	vunpack.i.u.bf16.f32 v6;
	v4 =	vmul.bf16 v7, v4  }
0xf4: {  	v11 =	vadd.f32 v13, v11;
	v3 =	vadd.f32 v6, v8  }
0xf5: {  	v6 =	vmul.bf16 v10, v9;
	v7 =	vunpack.i.u.bf16.f32 v4;
	v4 =	vunpack.i.l.bf16.f32 v4  }
0xf6: {  	v4 =	vadd.f32 v4, v11;
	v3 =	vadd.f32 v7, v3  }
0xf7: {  	v0 =	vadd.f32 v1, v0;
	v1 =	vunpack.i.u.bf16.f32 v6;
	v6 =	vunpack.i.l.bf16.f32 v6  }
0xf8: {  	v4 =	vadd.f32 v6, v4;
	v1 =	vadd.f32 v1, v3  }
0xf9: {  	v0 =	vadd.f32 v2, v0  }
0xfa: {  	(xrf2) =	vadd.scan.msk.f32 $0xffff, v12;
	v1 =	vadd.f32 v4, v1  }
0xfb: {  	(xrf2) =	vadd.scan.msk.f32 $0xffff, v0  }
0xfc: {  	(xrf2) =	vadd.scan.msk.f32 $0xffff, v1  }
0xfd: {  	s0 =	sadd.s32 $0x82, s0  }
0xfe: {  	s17 =	sadd.s32 $0x82, s2;
	v0 =	vmov s0  }
0xff: {  	s31 =	sadd.s32 $0x83, s2;
	v0 =	vand.u32 $0xFFFFFFFE, v0;
	v1 =	vmov s17  }
0x100: {  	v2 =	vmov s31;
	v0 =	vbroadcast v0, $0x0;
	v1 =	vand.u32 $0xFFFFFFFE, v1  }
0x101: {  	v1 =	vbroadcast v1, $0x0;
	_ =	sdelay $0x1  }
0x102: {  	v3, _, _ =	vpop (xrf2)  }
0x103: {  	[tilespmem:v5+s24+$0x0] =	vst.idx.msk vm0, v3;
	v4, _, _ =	vpop (xrf2)  }
0x104: {  	[tilespmem:v2+s24+$0x0] =	vst.idx.msk vm0, v4;
	v2, _, _ =	vpop (xrf2)  }
0x105: {  	[tilespmem:v0+s24+$0x0] =	vst.idx.msk vm0, v2;
	v0, _, _ =	vpop (xrf2)  }
0x106: {  	[tilespmem:v1+s24+$0x0] =	vst.idx.msk vm0, v0  }
0x107: {  	[tilespmem:s18], [sflag:$0x5] =	stream.linear.gather [hbm4b:s10+s1], $0x80, $0x38;
	[tilespmem:$0x8400] =	vst v63  }
0x108: {  	_ =	swait.ge [sflag:s14], $0x80  }
0x109: {  	[sflag:s14] =	ssyncset.done $0x0  }
0x10a: {  	[sflag:s14] =	ssyncadd.s32 $0xFFFFFF80  }
0x10b: {  	[tilespmem:s19], [sflag:$0x5] =	stream.linear.gather [hbm4b:s11+s1], $0x80, $0x38;
	[tilespmem:$0x8400] =	vst v63  }
0x10c: {  	_ =	swait.ge [sflag:s14], $0x80  }
0x10d: {  	[sflag:s14] =	ssyncset.done $0x0  }
0x10e: {  	[sflag:s14] =	ssyncadd.s32 $0xFFFFFF80  }
0x10f: {  	[tilespmem:s20], [sflag:$0x3] =	stream.indirect.gather [hbm4b:s3+s15], $0x40, s18, s15, $0xb8;
	[tilespmem:$0x8400] =	vst v63  }
0x110: {  	_ = 	snop  }
0x111: {  	[tilespmem:s21], [sflag:$0x4] =	stream.indirect.gather [hbm4b:s3+s15], $0x40, s19, s15, $0xb8;
	[tilespmem:$0x8400] =	vst v63  }
0x112: {  	_ =	swait.ge [sflag:s22], $0x2000  }
0x113: {  	[sflag:s22] =	ssyncset.done $0x0  }
0x114: {  	[sflag:s22] =	ssyncadd.s32 $0xFFFFE000  }
0x115: {  	_ =	swait.ge [sflag:s23], $0x2000  }
0x116: {  	[sflag:s23] =	ssyncset.done $0x0  }
0x117: {  	s2 =	simm.s32 $0x240;
	[sflag:s23] =	ssyncadd.s32 $0xFFFFE000  }
0x118: {  	s16 =	simm.s32 $0x2240;
	v0 =	vld [tilespmem:s2+$0x0]  }
0x119: {  	v1 =	vld [tilespmem:s16+$0x0]  }
0x11a: {  	v2 =	vld [tilespmem:s2+$0x10]  }
0x11b: {  	v3 =	vld [tilespmem:s16+$0x10]  }
0x11c: {  	v4 =	vld [tilespmem:s2+$0x20]  }
0x11d: {  	v5 =	vld [tilespmem:s16+$0x20]  }
0x11e: {  	v6 =	vld [tilespmem:s2+$0x30]  }
0x11f: {  	v7 =	vld [tilespmem:s16+$0x30]  }
0x120: {  	v8 =	vld [tilespmem:s16+$0xFFFFFFC0]  }
0x121: {  	v9 =	vld [tilespmem:s2+$0xFFFFFFD0];
	v0 =	vmul.bf16 v1, v0  }
0x122: {  	v11 =	vld [tilespmem:s2+$0xFFFFFFE0]  }
0x123: {  	v1 =	vld [tilespmem:s2+$0xFFFFFFC0];
	v2 =	vmul.bf16 v3, v2;
	v10 =	vunpack.i.u.bf16.f32 v0;
	v0 =	vunpack.i.l.bf16.f32 v0  }
0x124: {  	v3 =	vld [tilespmem:s16+$0xFFFFFFD0];
	v4 =	vmul.bf16 v5, v4;
	v0 =	vadd.f32 $0.0e+00, v0  }
0x125: {  	v5 =	vld [tilespmem:s16+$0xFFFFFFE0];
	v12 =	vunpack.i.u.bf16.f32 v2;
	v2 =	vunpack.i.l.bf16.f32 v2;
	v10 =	vadd.f32 $0.0e+00, v10  }
0x126: {  	v6 =	vmul.bf16 v7, v6;
	v7 =	vld [tilespmem:s16+$0xFFFFFFF0];
	v0 =	vadd.f32 v2, v0  }
0x127: {  	s17 =	simm.s32 $0x2C0;
	v2 =	vadd.f32 v12, v10;
	v10 =	vld [tilespmem:s2+$0xFFFFFFF0];
	v12 =	vunpack.i.u.bf16.f32 v4;
	v4 =	vunpack.i.l.bf16.f32 v4  }
0x128: {  	s31 =	simm.s32 $0x22C0;
	v0 =	vadd.f32 v4, v0;
	v4 =	vld [tilespmem:s17+$0x0]  }
0x129: {  	v1 =	vmul.bf16 v8, v1;
	v2 =	vadd.f32 v12, v2;
	v12 =	vld [tilespmem:s31+$0x0]  }
0x12a: {  	v8 =	vunpack.i.u.bf16.f32 v6;
	v6 =	vunpack.i.l.bf16.f32 v6;
	v3 =	vmul.bf16 v3, v9;
	v9 =	vld [tilespmem:s31+$0x10]  }
0x12b: {  	v0 =	vadd.f32 v6, v0;
	v2 =	vadd.f32 v8, v2;
	v6 =	vld [tilespmem:s17+$0x10];
	v8 =	vunpack.i.l.bf16.f32 v1  }
0x12c: {  	v5 =	vmul.bf16 v5, v11;
	v11 =	vld [tilespmem:s31+$0x20];
	v1 =	vunpack.i.u.bf16.f32 v1;
	v8 =	vadd.f32 $0.0e+00, v8  }
0x12d: {  	v13 =	vunpack.i.l.bf16.f32 v3;
	v1 =	vadd.f32 $0.0e+00, v1;
	v0 =	vadd.f32 v0, v2;
	v2 =	vld [tilespmem:s17+$0x20]  }
0x12e: {  	v3 =	vunpack.i.u.bf16.f32 v3;
	v8 =	vadd.f32 v13, v8;
	v4 =	vmul.bf16 v12, v4;
	v12 =	vld [tilespmem:s17+$0x30]  }
0x12f: {  	v1 =	vadd.f32 v3, v1;
	v3 =	vmul.bf16 v7, v10;
	v7 =	vunpack.i.u.bf16.f32 v5;
	v10 =	vld [tilespmem:s31+$0x30]  }
0x130: {  	v5 =	vunpack.i.l.bf16.f32 v5;
	v13 =	vld [tilespmem:s31+$0xFFFFFFC0];
	v14 =	vunpack.i.l.bf16.f32 v4;
	v6 =	vmul.bf16 v9, v6  }
0x131: {  	v5 =	vadd.f32 v5, v8;
	v4 =	vunpack.i.u.bf16.f32 v4;
	v8 =	vld [tilespmem:s17+$0xFFFFFFC0];
	v9 =	vadd.f32 $0.0e+00, v14  }
0x132: {  	v1 =	vadd.f32 v7, v1;
	v7 =	vld [tilespmem:s31+$0xFFFFFFD0];
	v4 =	vadd.f32 $0.0e+00, v4;
	v15 =	vunpack.i.l.bf16.f32 v6  }
0x133: {  	v14 =	vld [tilespmem:s17+$0xFFFFFFD0];
	v2 =	vmul.bf16 v11, v2;
	v6 =	vunpack.i.u.bf16.f32 v6;
	v9 =	vadd.f32 v15, v9  }
0x134: {  	v4 =	vadd.f32 v6, v4;
	v6 =	vld [tilespmem:s17+$0xFFFFFFE0];
	v10 =	vmul.bf16 v10, v12;
	v12 =	vunpack.i.u.bf16.f32 v3  }
0x135: {  	v15 =	vld [tilespmem:s31+$0xFFFFFFE0];
	v3 =	vunpack.i.l.bf16.f32 v3;
	v11 =	vunpack.i.l.bf16.f32 v2;
	v2 =	vunpack.i.u.bf16.f32 v2  }
0x136: {  	v9 =	vadd.f32 v11, v9;
	v2 =	vadd.f32 v2, v4;
	v4 =	vmul.bf16 v13, v8;
	v8 =	vld [tilespmem:s17+$0xFFFFFFF0]  }
0x137: {  	s29 =	simm.s32 $0x2340;
	(xrf2) =	vadd.scan.msk.f32 $0xffff, v0;
	v5 =	vadd.f32 v3, v5;
	v11 =	vunpack.i.l.bf16.f32 v10;
	v10 =	vunpack.i.u.bf16.f32 v10;
	v13 =	vld [tilespmem:s31+$0xFFFFFFF0]  }
0x138: {  	v16 =	vld [tilespmem:s29+$0x0];
	s16 =	simm.s32 $0x101;
	s2 =	simm.s32 $0x340;
	s17 =	simm.s32 $0x103;
	v7 =	vmul.bf16 v7, v14;
	v9 =	vadd.f32 v11, v9;
	v2 =	vadd.f32 v10, v2  }
0x139: {  	v14 =	vmov s16;
	v62 =	vmov s17;
	v10 =	vld [tilespmem:s2+$0x0];
	v11 =	vunpack.i.l.bf16.f32 v4  }
0x13a: {  	v17 =	vld [tilespmem:s29+$0x10];
	v4 =	vunpack.i.u.bf16.f32 v4;
	v11 =	vadd.f32 $0.0e+00, v11;
	v0 =	vadd.f32 v9, v2  }
0x13b: {  	v6 =	vmul.bf16 v15, v6;
	v9 =	vld [tilespmem:s2+$0x10];
	v2 =	vadd.f32 $0.0e+00, v4;
	v4 =	vunpack.i.l.bf16.f32 v7  }
0x13c: {  	v7 =	vunpack.i.u.bf16.f32 v7;
	v4 =	vadd.f32 v4, v11;
	v11 =	vld [tilespmem:s2+$0x20];
	v3 =	vmul.bf16 v13, v8;
	(xrf2) =	vadd.scan.msk.f32 $0xffff, v0  }
0x13d: {  	v8 =	vld [tilespmem:s29+$0x20];
	v0 =	vadd.f32 v7, v2;
	v7 =	vadd.f32 v12, v1;
	v2 =	vunpack.i.l.bf16.f32 v6  }
0x13e: {  	s31 =	simm.s32 $0x100;
	v1 =	vunpack.i.u.bf16.f32 v6;
	v12 =	vld [tilespmem:s29+$0x30];
	v6 =	vmul.bf16 v16, v10;
	v2 =	vadd.f32 v2, v4  }
0x13f: {  	v63 =	vmov s31;
	v10 =	vld [tilespmem:s2+$0x30];
	v0 =	vadd.f32 v1, v0;
	v5 =	vadd.f32 v5, v7  }
0x140: {  	v13 =	vld [tilespmem:s29+$0xFFFFFFC0];
	v4 =	vunpack.i.u.bf16.f32 v6;
	v6 =	vunpack.i.l.bf16.f32 v6;
	v7 =	vmul.bf16 v17, v9  }
0x141: {  	v18, _, _ =	vpop (xrf2);
	v1 =	vunpack.i.u.bf16.f32 v3;
	v9 =	vld [tilespmem:s2+$0xFFFFFFC0];
	v15 =	vadd.f32 $0.0e+00, v6;
	v4 =	vadd.f32 $0.0e+00, v4;
	(xrf2) =	vadd.scan.msk.f32 $0xffff, v5  }
0x142: {  	v6 =	vld [tilespmem:s2+$0xFFFFFFD0];
	v11 =	vmul.bf16 v8, v11;
	v17 =	vunpack.i.u.bf16.f32 v7;
	v7 =	vunpack.i.l.bf16.f32 v7  }
0x143: {  	v3 =	vunpack.i.l.bf16.f32 v3;
	v8 =	vld [tilespmem:s29+$0xFFFFFFD0];
	v7 =	vadd.f32 v7, v15;
	v15 =	vadd.f32 v17, v4  }
0x144: {  	v4 =	vld [tilespmem:s2+$0xFFFFFFE0];
	v10 =	vmul.bf16 v12, v10;
	v12 =	vunpack.i.u.bf16.f32 v11;
	v11 =	vunpack.i.l.bf16.f32 v11  }
0x145: {  	[tilespmem:v14+s24+$0x0] =	vst.idx.msk vm0, v18;
	v17 =	vand.u32 $0xFFFFFFFE, v63;
	v14 =	vadd.f32 v11, v7;
	v7 =	vld [tilespmem:s29+$0xFFFFFFE0];
	v15 =	vadd.f32 v12, v15  }
0x146: {  	s30 =	simm.s32 $0x4;
	v11 =	vmul.bf16 v13, v9;
	v9 =	vld [tilespmem:s2+$0xFFFFFFF0];
	v13 =	vunpack.i.u.bf16.f32 v10;
	v12 =	vunpack.i.l.bf16.f32 v10;
	v5, _, _ =	vpop (xrf2)  }
0x147: {  	s0 =	simm.s32 $0x0;
	s16 =	simm.s32 $0x3C0;
	s2 =	simm.s32 $0x2;
	v10 =	vld [tilespmem:s29+$0xFFFFFFF0];
	v12 =	vadd.f32 v12, v14;
	v13 =	vadd.f32 v13, v15;
	[tilespmem:v62+s24+$0x0] =	vst.idx.msk vm0, v5;
	v5 =	vbroadcast v17, $0x0  }
.LBB2_6:
0x148: {  	v14 =	vld [tilespmem:s16+$0x0];
	v15 =	vunpack.i.u.bf16.f32 v11;
	v11 =	vunpack.i.l.bf16.f32 v11;
	v6 =	vmul.bf16 v8, v6;
	s29 =	sadd.s32 $0x80, s29;
	s17 =	smov.u32 s30  }
0x149: {  	s30 =	sadd.s32 $0x2, s30;
	v8 =	vld [tilespmem:s29+$0x0];
	v11 =	vadd.f32 $0.0e+00, v11;
	v12 =	vadd.f32 v12, v13  }
0x14a: {  	p0 =	slt.u32 s30, $0x7E;
	v15 =	vadd.f32 $0.0e+00, v15;
	v13 =	vld [tilespmem:s16+$0x10];
	v16 =	vunpack.i.u.bf16.f32 v6;
	v6 =	vunpack.i.l.bf16.f32 v6  }
0x14b: {  	v4 =	vmul.bf16 v7, v4;
	v7 =	vadd.f32 v3, v2;
	v17 =	vld [tilespmem:s29+$0x10];
	v6 =	vadd.f32 v6, v11;
	(xrf2) =	vadd.scan.msk.f32 $0xffff, v12;
	v2, _, _ =	vpop (xrf2)  }
0x14c: {  	v3 =	vadd.f32 v16, v15;
	v11 =	vld [tilespmem:s16+$0x20];
	v9 =	vmul.bf16 v10, v9;
	v10 =	vadd.f32 v1, v0  }
0x14d: {  	v0 =	vunpack.i.u.bf16.f32 v4;
	v1 =	vunpack.i.l.bf16.f32 v4;
	v12 =	vld [tilespmem:s29+$0x20];
	[tilespmem:v5+s24+$0x0] =	vst.idx.msk vm0, v2  }
0x14e: {  	v2 =	vadd.f32 v1, v6;
	v0 =	vadd.f32 v0, v3;
	v4 =	vmul.bf16 v8, v14;
	v5 =	vld [tilespmem:s16+$0x30]  }
0x14f: {  	v1 =	vunpack.i.u.bf16.f32 v9;
	v3 =	vunpack.i.l.bf16.f32 v9;
	v6 =	vadd.f32 v7, v10;
	v14 =	vld [tilespmem:s29+$0x30]  }
0x150: {  	s31 =	sadd.s32 $0x103, s2;
	v9 =	vld [tilespmem:s29+$0xFFFFFFC0];
	v7 =	vunpack.i.u.bf16.f32 v4;
	v4 =	vunpack.i.l.bf16.f32 v4;
	v8 =	vmul.bf16 v17, v13  }
0x151: {  	v13 =	vmov s31;
	v10 =	vld [tilespmem:s16+$0xFFFFFFC0];
	v4 =	vadd.f32 $0.0e+00, v4;
	v7 =	vadd.f32 $0.0e+00, v7;
	(xrf2) =	vadd.scan.msk.f32 $0xffff, v6  }
0x152: {  	s31 =	sadd.s32 $0x102, s0;
	s0 =	smov.u32 s2;
	s2 =	smov.u32 s17;
	v6 =	vld [tilespmem:s16+$0xFFFFFFD0];
	v15 =	vunpack.i.u.bf16.f32 v8;
	v16 =	vunpack.i.l.bf16.f32 v8;
	v11 =	vmul.bf16 v12, v11  }
.Ltmp2:
0x153: {  	v8 =	vld [tilespmem:s29+$0xFFFFFFD0];
	v12 =	vadd.f32 v16, v4;
	v18 =	vadd.f32 v15, v7;
	v16 =	vmov s31;
	(pc) =	sbr.rel @p0 .LBB2_6-.Ltmp2, $4  }
0x154: {  	v4 =	vld [tilespmem:s16+$0xFFFFFFE0];
	v17 =	vunpack.i.u.bf16.f32 v11;
	v11 =	vunpack.i.l.bf16.f32 v11;
	v5 =	vmul.bf16 v14, v5  }
0x155: {  	v16 =	vand.u32 $0xFFFFFFFE, v16;
	v7 =	vld [tilespmem:s29+$0xFFFFFFE0];
	v12 =	vadd.f32 v11, v12;
	v14 =	vadd.f32 v17, v18;
	v15, _, _ =	vpop (xrf2)  }
0x156: {  	v11 =	vmul.bf16 v9, v10;
	v9 =	vld [tilespmem:s16+$0xFFFFFFF0];
	v17 =	vunpack.i.u.bf16.f32 v5;
	v5 =	vunpack.i.l.bf16.f32 v5;
	[tilespmem:v13+s24+$0x0] =	vst.idx.msk vm0, v15  }
0x157: {  	s16 =	sadd.s32 $0x80, s16;
	v10 =	vld [tilespmem:s29+$0xFFFFFFF0];
	v12 =	vadd.f32 v5, v12;
	v13 =	vadd.f32 v17, v14;
	v5 =	vbroadcast v16, $0x0  }
0x158: {  	v14 =	vunpack.i.l.bf16.f32 v11;
	v6 =	vmul.bf16 v8, v6  }
0x159: {  	v8 =	vunpack.i.u.bf16.f32 v11;
	v2 =	vadd.f32 v3, v2;
	v11 =	vadd.f32 $0.0e+00, v14  }
0x15a: {  	v12 =	vadd.f32 v12, v13;
	v8 =	vadd.f32 $0.0e+00, v8  }
0x15b: {  	v13 =	vunpack.i.l.bf16.f32 v6;
	v6 =	vunpack.i.u.bf16.f32 v6;
	v4 =	vmul.bf16 v7, v4  }
0x15c: {  	v11 =	vadd.f32 v13, v11;
	v3 =	vadd.f32 v6, v8  }
0x15d: {  	v6 =	vmul.bf16 v10, v9;
	v7 =	vunpack.i.u.bf16.f32 v4;
	v4 =	vunpack.i.l.bf16.f32 v4  }
0x15e: {  	v4 =	vadd.f32 v4, v11;
	v3 =	vadd.f32 v7, v3  }
0x15f: {  	v0 =	vadd.f32 v1, v0;
	v1 =	vunpack.i.u.bf16.f32 v6;
	v6 =	vunpack.i.l.bf16.f32 v6  }
0x160: {  	v4 =	vadd.f32 v6, v4;
	v1 =	vadd.f32 v1, v3  }
0x161: {  	v0 =	vadd.f32 v2, v0  }
0x162: {  	(xrf2) =	vadd.scan.msk.f32 $0xffff, v12;
	v1 =	vadd.f32 v4, v1  }
0x163: {  	(xrf2) =	vadd.scan.msk.f32 $0xffff, v0  }
0x164: {  	(xrf2) =	vadd.scan.msk.f32 $0xffff, v1  }
0x165: {  	s0 =	sadd.s32 $0x102, s0  }
0x166: {  	s17 =	sadd.s32 $0x102, s2;
	v0 =	vmov s0  }
0x167: {  	s31 =	sadd.s32 $0x103, s2;
	v0 =	vand.u32 $0xFFFFFFFE, v0;
	v1 =	vmov s17  }
0x168: {  	v2 =	vmov s31;
	v0 =	vbroadcast v0, $0x0;
	v1 =	vand.u32 $0xFFFFFFFE, v1  }
0x169: {  	v1 =	vbroadcast v1, $0x0;
	_ =	sdelay $0x1  }
0x16a: {  	v3, _, _ =	vpop (xrf2)  }
0x16b: {  	[tilespmem:v5+s24+$0x0] =	vst.idx.msk vm0, v3;
	v4, _, _ =	vpop (xrf2)  }
0x16c: {  	[tilespmem:v2+s24+$0x0] =	vst.idx.msk vm0, v4;
	v2, _, _ =	vpop (xrf2)  }
0x16d: {  	[tilespmem:v0+s24+$0x0] =	vst.idx.msk vm0, v2;
	v0, _, _ =	vpop (xrf2)  }
0x16e: {  	[tilespmem:v1+s24+$0x0] =	vst.idx.msk vm0, v0  }
0x16f: {  	_ =	swait.ge [sflag:s25], $0x2000  }
0x170: {  	[sflag:s25] =	ssyncset.done $0x0  }
0x171: {  	[sflag:s25] =	ssyncadd.s32 $0xFFFFE000  }
0x172: {  	_ =	swait.ge [sflag:s26], $0x2000  }
0x173: {  	[sflag:s26] =	ssyncset.done $0x0  }
0x174: {  	s2 =	simm.s32 $0x4240;
	[sflag:s26] =	ssyncadd.s32 $0xFFFFE000  }
0x175: {  	s16 =	simm.s32 $0x6240;
	v0 =	vld [tilespmem:s2+$0x0]  }
0x176: {  	v1 =	vld [tilespmem:s16+$0x0]  }
0x177: {  	v2 =	vld [tilespmem:s2+$0x10]  }
0x178: {  	v3 =	vld [tilespmem:s16+$0x10]  }
0x179: {  	v4 =	vld [tilespmem:s2+$0x20]  }
0x17a: {  	v5 =	vld [tilespmem:s16+$0x20]  }
0x17b: {  	v6 =	vld [tilespmem:s2+$0x30]  }
0x17c: {  	v7 =	vld [tilespmem:s16+$0x30]  }
0x17d: {  	v8 =	vld [tilespmem:s16+$0xFFFFFFC0]  }
0x17e: {  	v9 =	vld [tilespmem:s2+$0xFFFFFFD0];
	v0 =	vmul.bf16 v1, v0  }
0x17f: {  	v11 =	vld [tilespmem:s2+$0xFFFFFFE0]  }
0x180: {  	v1 =	vld [tilespmem:s2+$0xFFFFFFC0];
	v2 =	vmul.bf16 v3, v2;
	v10 =	vunpack.i.u.bf16.f32 v0;
	v0 =	vunpack.i.l.bf16.f32 v0  }
0x181: {  	v3 =	vld [tilespmem:s16+$0xFFFFFFD0];
	v4 =	vmul.bf16 v5, v4;
	v0 =	vadd.f32 $0.0e+00, v0  }
0x182: {  	v5 =	vld [tilespmem:s16+$0xFFFFFFE0];
	v12 =	vunpack.i.u.bf16.f32 v2;
	v2 =	vunpack.i.l.bf16.f32 v2;
	v10 =	vadd.f32 $0.0e+00, v10  }
0x183: {  	v6 =	vmul.bf16 v7, v6;
	v7 =	vld [tilespmem:s16+$0xFFFFFFF0];
	v0 =	vadd.f32 v2, v0  }
0x184: {  	s17 =	simm.s32 $0x42C0;
	v2 =	vadd.f32 v12, v10;
	v10 =	vld [tilespmem:s2+$0xFFFFFFF0];
	v12 =	vunpack.i.u.bf16.f32 v4;
	v4 =	vunpack.i.l.bf16.f32 v4  }
0x185: {  	s31 =	simm.s32 $0x62C0;
	v0 =	vadd.f32 v4, v0;
	v4 =	vld [tilespmem:s17+$0x0]  }
0x186: {  	v1 =	vmul.bf16 v8, v1;
	v2 =	vadd.f32 v12, v2;
	v12 =	vld [tilespmem:s31+$0x0]  }
0x187: {  	v8 =	vunpack.i.u.bf16.f32 v6;
	v6 =	vunpack.i.l.bf16.f32 v6;
	v3 =	vmul.bf16 v3, v9;
	v9 =	vld [tilespmem:s31+$0x10]  }
0x188: {  	v0 =	vadd.f32 v6, v0;
	v2 =	vadd.f32 v8, v2;
	v6 =	vld [tilespmem:s17+$0x10];
	v8 =	vunpack.i.l.bf16.f32 v1  }
0x189: {  	v5 =	vmul.bf16 v5, v11;
	v11 =	vld [tilespmem:s31+$0x20];
	v1 =	vunpack.i.u.bf16.f32 v1;
	v8 =	vadd.f32 $0.0e+00, v8  }
0x18a: {  	v13 =	vunpack.i.l.bf16.f32 v3;
	v1 =	vadd.f32 $0.0e+00, v1;
	v0 =	vadd.f32 v0, v2;
	v2 =	vld [tilespmem:s17+$0x20]  }
0x18b: {  	v3 =	vunpack.i.u.bf16.f32 v3;
	v8 =	vadd.f32 v13, v8;
	v4 =	vmul.bf16 v12, v4;
	v12 =	vld [tilespmem:s17+$0x30]  }
0x18c: {  	v1 =	vadd.f32 v3, v1;
	v3 =	vmul.bf16 v7, v10;
	v7 =	vunpack.i.u.bf16.f32 v5;
	v10 =	vld [tilespmem:s31+$0x30]  }
0x18d: {  	v5 =	vunpack.i.l.bf16.f32 v5;
	v13 =	vld [tilespmem:s31+$0xFFFFFFC0];
	v14 =	vunpack.i.l.bf16.f32 v4;
	v6 =	vmul.bf16 v9, v6  }
0x18e: {  	v5 =	vadd.f32 v5, v8;
	v4 =	vunpack.i.u.bf16.f32 v4;
	v8 =	vld [tilespmem:s17+$0xFFFFFFC0];
	v9 =	vadd.f32 $0.0e+00, v14  }
0x18f: {  	v1 =	vadd.f32 v7, v1;
	v7 =	vld [tilespmem:s31+$0xFFFFFFD0];
	v4 =	vadd.f32 $0.0e+00, v4;
	v15 =	vunpack.i.l.bf16.f32 v6  }
0x190: {  	v14 =	vld [tilespmem:s17+$0xFFFFFFD0];
	v2 =	vmul.bf16 v11, v2;
	v6 =	vunpack.i.u.bf16.f32 v6;
	v9 =	vadd.f32 v15, v9  }
0x191: {  	v4 =	vadd.f32 v6, v4;
	v6 =	vld [tilespmem:s17+$0xFFFFFFE0];
	v10 =	vmul.bf16 v10, v12;
	v12 =	vunpack.i.u.bf16.f32 v3  }
0x192: {  	v15 =	vld [tilespmem:s31+$0xFFFFFFE0];
	v3 =	vunpack.i.l.bf16.f32 v3;
	v11 =	vunpack.i.l.bf16.f32 v2;
	v2 =	vunpack.i.u.bf16.f32 v2  }
0x193: {  	v9 =	vadd.f32 v11, v9;
	v2 =	vadd.f32 v2, v4;
	v4 =	vmul.bf16 v13, v8;
	v8 =	vld [tilespmem:s17+$0xFFFFFFF0]  }
0x194: {  	s29 =	simm.s32 $0x6340;
	(xrf2) =	vadd.scan.msk.f32 $0xffff, v0;
	v5 =	vadd.f32 v3, v5;
	v11 =	vunpack.i.l.bf16.f32 v10;
	v10 =	vunpack.i.u.bf16.f32 v10;
	v13 =	vld [tilespmem:s31+$0xFFFFFFF0]  }
0x195: {  	v16 =	vld [tilespmem:s29+$0x0];
	s16 =	simm.s32 $0x181;
	s2 =	simm.s32 $0x4340;
	s17 =	simm.s32 $0x183;
	v7 =	vmul.bf16 v7, v14;
	v9 =	vadd.f32 v11, v9;
	v2 =	vadd.f32 v10, v2  }
0x196: {  	v14 =	vmov s16;
	v62 =	vmov s17;
	v10 =	vld [tilespmem:s2+$0x0];
	v11 =	vunpack.i.l.bf16.f32 v4  }
0x197: {  	v17 =	vld [tilespmem:s29+$0x10];
	v4 =	vunpack.i.u.bf16.f32 v4;
	v11 =	vadd.f32 $0.0e+00, v11;
	v0 =	vadd.f32 v9, v2  }
0x198: {  	v6 =	vmul.bf16 v15, v6;
	v9 =	vld [tilespmem:s2+$0x10];
	v2 =	vadd.f32 $0.0e+00, v4;
	v4 =	vunpack.i.l.bf16.f32 v7  }
0x199: {  	v7 =	vunpack.i.u.bf16.f32 v7;
	v4 =	vadd.f32 v4, v11;
	v11 =	vld [tilespmem:s2+$0x20];
	v3 =	vmul.bf16 v13, v8;
	(xrf2) =	vadd.scan.msk.f32 $0xffff, v0  }
0x19a: {  	v8 =	vld [tilespmem:s29+$0x20];
	v0 =	vadd.f32 v7, v2;
	v7 =	vadd.f32 v12, v1;
	v2 =	vunpack.i.l.bf16.f32 v6  }
0x19b: {  	s31 =	simm.s32 $0x180;
	v1 =	vunpack.i.u.bf16.f32 v6;
	v12 =	vld [tilespmem:s29+$0x30];
	v6 =	vmul.bf16 v16, v10;
	v2 =	vadd.f32 v2, v4  }
0x19c: {  	v63 =	vmov s31;
	v10 =	vld [tilespmem:s2+$0x30];
	v0 =	vadd.f32 v1, v0;
	v5 =	vadd.f32 v5, v7  }
0x19d: {  	v13 =	vld [tilespmem:s29+$0xFFFFFFC0];
	v4 =	vunpack.i.u.bf16.f32 v6;
	v6 =	vunpack.i.l.bf16.f32 v6;
	v7 =	vmul.bf16 v17, v9  }
0x19e: {  	v18, _, _ =	vpop (xrf2);
	v1 =	vunpack.i.u.bf16.f32 v3;
	v9 =	vld [tilespmem:s2+$0xFFFFFFC0];
	v15 =	vadd.f32 $0.0e+00, v6;
	v4 =	vadd.f32 $0.0e+00, v4;
	(xrf2) =	vadd.scan.msk.f32 $0xffff, v5  }
0x19f: {  	v6 =	vld [tilespmem:s2+$0xFFFFFFD0];
	v11 =	vmul.bf16 v8, v11;
	v17 =	vunpack.i.u.bf16.f32 v7;
	v7 =	vunpack.i.l.bf16.f32 v7  }
0x1a0: {  	v3 =	vunpack.i.l.bf16.f32 v3;
	v8 =	vld [tilespmem:s29+$0xFFFFFFD0];
	v7 =	vadd.f32 v7, v15;
	v15 =	vadd.f32 v17, v4  }
0x1a1: {  	v4 =	vld [tilespmem:s2+$0xFFFFFFE0];
	v10 =	vmul.bf16 v12, v10;
	v12 =	vunpack.i.u.bf16.f32 v11;
	v11 =	vunpack.i.l.bf16.f32 v11  }
0x1a2: {  	[tilespmem:v14+s24+$0x0] =	vst.idx.msk vm0, v18;
	v17 =	vand.u32 $0xFFFFFFFE, v63;
	v14 =	vadd.f32 v11, v7;
	v7 =	vld [tilespmem:s29+$0xFFFFFFE0];
	v15 =	vadd.f32 v12, v15  }
0x1a3: {  	s30 =	simm.s32 $0x4;
	v11 =	vmul.bf16 v13, v9;
	v9 =	vld [tilespmem:s2+$0xFFFFFFF0];
	v13 =	vunpack.i.u.bf16.f32 v10;
	v12 =	vunpack.i.l.bf16.f32 v10;
	v5, _, _ =	vpop (xrf2)  }
0x1a4: {  	s0 =	simm.s32 $0x0;
	s16 =	simm.s32 $0x43C0;
	s2 =	simm.s32 $0x2;
	v10 =	vld [tilespmem:s29+$0xFFFFFFF0];
	v12 =	vadd.f32 v12, v14;
	v13 =	vadd.f32 v13, v15;
	[tilespmem:v62+s24+$0x0] =	vst.idx.msk vm0, v5;
	v5 =	vbroadcast v17, $0x0  }
.LBB2_8:
0x1a5: {  	v14 =	vld [tilespmem:s16+$0x0];
	v15 =	vunpack.i.u.bf16.f32 v11;
	v11 =	vunpack.i.l.bf16.f32 v11;
	v6 =	vmul.bf16 v8, v6;
	s29 =	sadd.s32 $0x80, s29;
	s17 =	smov.u32 s30  }
0x1a6: {  	s30 =	sadd.s32 $0x2, s30;
	v8 =	vld [tilespmem:s29+$0x0];
	v11 =	vadd.f32 $0.0e+00, v11;
	v12 =	vadd.f32 v12, v13  }
0x1a7: {  	p0 =	slt.u32 s30, $0x7E;
	v15 =	vadd.f32 $0.0e+00, v15;
	v13 =	vld [tilespmem:s16+$0x10];
	v16 =	vunpack.i.u.bf16.f32 v6;
	v6 =	vunpack.i.l.bf16.f32 v6  }
0x1a8: {  	v4 =	vmul.bf16 v7, v4;
	v7 =	vadd.f32 v3, v2;
	v17 =	vld [tilespmem:s29+$0x10];
	v6 =	vadd.f32 v6, v11;
	(xrf2) =	vadd.scan.msk.f32 $0xffff, v12;
	v2, _, _ =	vpop (xrf2)  }
0x1a9: {  	v3 =	vadd.f32 v16, v15;
	v11 =	vld [tilespmem:s16+$0x20];
	v9 =	vmul.bf16 v10, v9;
	v10 =	vadd.f32 v1, v0  }
0x1aa: {  	v0 =	vunpack.i.u.bf16.f32 v4;
	v1 =	vunpack.i.l.bf16.f32 v4;
	v12 =	vld [tilespmem:s29+$0x20];
	[tilespmem:v5+s24+$0x0] =	vst.idx.msk vm0, v2  }
0x1ab: {  	v2 =	vadd.f32 v1, v6;
	v0 =	vadd.f32 v0, v3;
	v4 =	vmul.bf16 v8, v14;
	v5 =	vld [tilespmem:s16+$0x30]  }
0x1ac: {  	v1 =	vunpack.i.u.bf16.f32 v9;
	v3 =	vunpack.i.l.bf16.f32 v9;
	v6 =	vadd.f32 v7, v10;
	v14 =	vld [tilespmem:s29+$0x30]  }
0x1ad: {  	s31 =	sadd.s32 $0x183, s2;
	v9 =	vld [tilespmem:s29+$0xFFFFFFC0];
	v7 =	vunpack.i.u.bf16.f32 v4;
	v4 =	vunpack.i.l.bf16.f32 v4;
	v8 =	vmul.bf16 v17, v13  }
0x1ae: {  	v13 =	vmov s31;
	v10 =	vld [tilespmem:s16+$0xFFFFFFC0];
	v4 =	vadd.f32 $0.0e+00, v4;
	v7 =	vadd.f32 $0.0e+00, v7;
	(xrf2) =	vadd.scan.msk.f32 $0xffff, v6  }
0x1af: {  	s31 =	sadd.s32 $0x182, s0;
	s0 =	smov.u32 s2;
	s2 =	smov.u32 s17;
	v6 =	vld [tilespmem:s16+$0xFFFFFFD0];
	v15 =	vunpack.i.u.bf16.f32 v8;
	v16 =	vunpack.i.l.bf16.f32 v8;
	v11 =	vmul.bf16 v12, v11  }
.Ltmp3:
0x1b0: {  	v8 =	vld [tilespmem:s29+$0xFFFFFFD0];
	v12 =	vadd.f32 v16, v4;
	v18 =	vadd.f32 v15, v7;
	v16 =	vmov s31;
	(pc) =	sbr.rel @p0 .LBB2_8-.Ltmp3, $4  }
0x1b1: {  	v4 =	vld [tilespmem:s16+$0xFFFFFFE0];
	v17 =	vunpack.i.u.bf16.f32 v11;
	v11 =	vunpack.i.l.bf16.f32 v11;
	v5 =	vmul.bf16 v14, v5  }
0x1b2: {  	v16 =	vand.u32 $0xFFFFFFFE, v16;
	v7 =	vld [tilespmem:s29+$0xFFFFFFE0];
	v12 =	vadd.f32 v11, v12;
	v14 =	vadd.f32 v17, v18;
	v15, _, _ =	vpop (xrf2)  }
0x1b3: {  	v11 =	vmul.bf16 v9, v10;
	v9 =	vld [tilespmem:s16+$0xFFFFFFF0];
	v17 =	vunpack.i.u.bf16.f32 v5;
	v5 =	vunpack.i.l.bf16.f32 v5;
	[tilespmem:v13+s24+$0x0] =	vst.idx.msk vm0, v15  }
0x1b4: {  	s16 =	sadd.s32 $0x80, s16;
	v10 =	vld [tilespmem:s29+$0xFFFFFFF0];
	v12 =	vadd.f32 v5, v12;
	v13 =	vadd.f32 v17, v14;
	v5 =	vbroadcast v16, $0x0  }
0x1b5: {  	v14 =	vunpack.i.l.bf16.f32 v11;
	v6 =	vmul.bf16 v8, v6  }
0x1b6: {  	v51 =	vunpack.i.u.bf16.f32 v11;
	v2 =	vadd.f32 v3, v2;
	v0 =	vadd.f32 v1, v0  }
0x1b7: {  	v52 =	vadd.f32 $0.0e+00, v14;
	v8 =	vadd.f32 $0.0e+00, v51  }
0x1b8: {  	v53 =	vunpack.i.l.bf16.f32 v6;
	v6 =	vunpack.i.u.bf16.f32 v6;
	v4 =	vmul.bf16 v7, v4  }
0x1b9: {  	v11 =	vadd.f32 v53, v52;
	v54 =	vadd.f32 v6, v8  }
0x1ba: {  	v55 =	vmul.bf16 v10, v9;
	v7 =	vunpack.i.u.bf16.f32 v4;
	v4 =	vunpack.i.l.bf16.f32 v4  }
0x1bb: {  	v4 =	vadd.f32 v4, v11;
	v3 =	vadd.f32 v7, v54  }
0x1bc: {  	v12 =	vadd.f32 v12, v13;
	v56 =	vunpack.i.u.bf16.f32 v55;
	v6 =	vunpack.i.l.bf16.f32 v55  }
0x1bd: {  	v4 =	vadd.f32 v6, v4;
	v1 =	vadd.f32 v56, v3  }
0x1be: {  	v0 =	vadd.f32 v2, v0  }
0x1bf: {  	(xrf2) =	vadd.scan.msk.f32 $0xffff, v12;
	v1 =	vadd.f32 v4, v1  }
0x1c0: {  	(xrf2) =	vadd.scan.msk.f32 $0xffff, v0  }
0x1c1: {  	(xrf2) =	vadd.scan.msk.f32 $0xffff, v1  }
0x1c2: {  	s0 =	sadd.s32 $0x182, s0  }
0x1c3: {  	s30 =	sadd.s32 $0x182, s2;
	v57 =	vmov s0  }
0x1c4: {  	s31 =	sadd.s32 $0x183, s2;
	v58 =	vmov s30;
	v0 =	vand.u32 $0xFFFFFFFE, v57  }
0x1c5: {  	v59 =	vmov s31;
	v0 =	vbroadcast v0, $0x0;
	v1 =	vand.u32 $0xFFFFFFFE, v58  }
0x1c6: {  	v1 =	vbroadcast v1, $0x0;
	_ =	sdelay $0x1  }
0x1c7: {  	v60, _, _ =	vpop (xrf2)  }
0x1c8: {  	[tilespmem:v5+s24+$0x0] =	vst.idx.msk vm0, v60;
	v61, _, _ =	vpop (xrf2)  }
0x1c9: {  	s28 =	sadd.s32 $0x1, s28;
	[tilespmem:v59+s24+$0x0] =	vst.idx.msk vm0, v61;
	v62, _, _ =	vpop (xrf2)  }
0x1ca: {  	p0 =	sne.s32 s28, s13;
	[tilespmem:v0+s24+$0x0] =	vst.idx.msk vm0, v62;
	v63, _, _ =	vpop (xrf2)  }
.Ltmp4:
0x1cb: {  	[tilespmem:v1+s24+$0x0] =	vst.idx.msk vm0, v63;
	(pc) =	sbr.rel @p0 .LBB2_1-.Ltmp4, $4  }
0x1cc: {  	[hbm4b:s12+s1] =	stream.linear.scatter [tilespmem:s24], [sflag:$0x5], $0x200, $0x38;
	[tilespmem:$0x8400] =	vst v63  }
0x1cd: {  	_ =	swait.ge [sflag:s14], $0x200  }
0x1ce: {  	[sflag:s14] =	ssyncset.done $0x0  }
0x1cf: {  	[sflag:s14] =	ssyncadd.s32 $0xFFFFFE00  }
0x1d0: {  	_ =	sfence.sel $0x180000  }
0x1d1: {  	[bflag:$0x0] =	sbarrier.arrive $0xFFFF  }
0x1d2: {  	_ =	strace $0x90000047  }
0x1d3: {  	s0 =	stileid.u32;
	[bflag:$0x2] =	sbarrier.arrive $0xFFFF  }
0x1d4: {  	p0 =	sne.s32 s0, $0x0;
	s0 =	rddreg [dreg:$0x2]  }
0x1d5: {  	s0 =	sadd.s32 @!p0 $0x100000, s0  }
0x1d6: {  	[sflag:s0] =	ssyncadd.tile.s32 @!p0 $0x1;
	_ =	shalt  }
.Lfunc_end2:
_tile_overlayer_lowered:
.L_overlay_start_2:
0x1d7: {  	(tag) =	ssettag $0x2  }
0x1d8: {  	s0 =	rddreg [dreg:$0x0];
	s2 =	stileid.u32  }
0x1d9: {  	s1 =	rddreg [dreg:$0x1];
	p0 =	sne.s32 s2, $0x0  }
0x1da: {  	s3 =	rddreg [dreg:$0x2];
	[bflag:$0x3] =	sbarrier.arrive $0xFFFF;
	s2 =	simm.s32 @!p0 $0x1C05  }
0x1db: {  	[timem:s3], [sflag:s2] =	dma.local @!p0 [hbm:s0], s1  }
0x1dc: {  	s0 =	simm.s32 @!p0 $0x5  }
0x1dd: {  	_ =	swait.ge @!p0 [sflag:s0], s1  }
0x1de: {  	s1 =	ssub.s32 @!p0 $0x0, s1;
	[sflag:s0] =	ssyncset.done @!p0 $0x0  }
0x1df: {  	[sflag:s0] =	ssyncadd.s32 @!p0 s1  }
0x1e0: {  	[bflag:$0x3] =	sbarrier.arrive $0xFFFF  }
0x1e1: {  	_ =	shalt  }

</sc_bundles>
